<compile_context>
chip_gen: v7x
topology: tpu7x:2x2x1
jax: 0.10.2.dev20260603
libtpu: 0.0.44.dev20260713+nightly
codegen_flags: <defaults>
</compile_context>

<pallas_src>
import functools

import jax
import jax.numpy as jnp
from jax import lax
from jax.experimental import pallas as pl
from jax.experimental.pallas import tpu as pltpu
from jax.experimental.pallas import tpu_sc as plsc

VOCAB = 100000
HIDDEN = 64
TOKENS = 256
BLK = 12800
LANE = 128


def _sc_gather(table_t, ids):
    info = plsc.get_sparse_core_info()
    nc, ns = info.num_cores, info.num_subcores
    nw = nc * ns
    b_per_w = TOKENS // nw
    lanes = info.num_lanes
    mesh = plsc.VectorSubcoreMesh(core_axis_name="c", subcore_axis_name="s")

    @functools.partial(
        pl.kernel,
        mesh=mesh,
        out_type=jax.ShapeDtypeStruct((TOKENS, HIDDEN), jnp.float32),
        scratch_types=[
            pltpu.VMEM((lanes,), jnp.int32),
            pltpu.VMEM((b_per_w, HIDDEN, LANE), jnp.float32),
            pltpu.VMEM((b_per_w, HIDDEN), jnp.float32),
            pltpu.SemaphoreType.DMA,
        ],
        compiler_params=pltpu.CompilerParams(needs_layout_passes=False),
    )
    def gather_kernel(table_hbm, idx_hbm, out_hbm, idx_v, slab_v, rows_v, sem):
        wid = lax.axis_index("s") * nc + lax.axis_index("c")
        base = wid * b_per_w
        pltpu.sync_copy(idx_hbm.at[pl.ds(base, b_per_w)], idx_v.at[pl.ds(0, b_per_w)])
        ids_vec = idx_v[...]
        lane_ids = lax.iota(jnp.int32, lanes)
        copies = []
        cols = []
        for t in range(b_per_w):
            tok = jnp.max(jnp.where(lane_ids == t, ids_vec, 0))
            col = pl.multiple_of((tok // LANE) * LANE, LANE)
            cols.append(tok - col)
            copies.append(
                pltpu.async_copy(
                    table_hbm.at[:, pl.ds(col, LANE)], slab_v.at[t], sem
                )
            )
        for t in range(b_per_w):
            copies[t].wait()
            lane_t = cols[t]
            for c in range(HIDDEN // lanes):
                d_idx = c * lanes + lane_ids
                vals = plsc.load_gather(
                    slab_v.at[t], [d_idx, jnp.full((lanes,), 0, jnp.int32) + lane_t]
                )
                rows_v[t, pl.ds(c * lanes, lanes)] = vals
        pltpu.sync_copy(rows_v, out_hbm.at[pl.ds(base, b_per_w)])

    return gather_kernel(table_t, ids)


def _matmul_body(h_ref, w_ref, out_ref):
    out_ref[...] = lax.dot_general(
        h_ref[...], w_ref[...],
        dimension_numbers=(((1,), (0,)), ((), ())),
        preferred_element_type=jnp.float32,
    )


def _tc_logits(h, head_w_t):
    grid = pl.cdiv(VOCAB, BLK)
    return pl.pallas_call(
        _matmul_body,
        grid=(grid,),
        in_specs=[
            pl.BlockSpec((TOKENS, HIDDEN), lambda i: (0, 0)),
            pl.BlockSpec((HIDDEN, BLK), lambda i: (0, i)),
        ],
        out_specs=pl.BlockSpec((TOKENS, BLK), lambda i: (0, i)),
        out_shape=jax.ShapeDtypeStruct((TOKENS, VOCAB), jnp.float32),
    )(h, head_w_t)


def kernel(input_ids, embed, head_w):
    b, l = input_ids.shape
    ids_flat = input_ids.reshape(-1).astype(jnp.int32)
    h = _sc_gather(embed.T, ids_flat)
    logits = _tc_logits(h, head_w.T)
    return logits.reshape(b, l, VOCAB)

# --- scband reference (transcript-rebuilt; emitter-appended) ---
"""Pipeline reference for scband-dummy-lmhead-26448408608831 (READ-ONLY COPY).

The authoritative reference and input builder live on the scoring server;
editing this copy changes nothing except your own understanding.
"""

import jax, jax.numpy as jnp
import numpy as np

VOCAB = 100000
HIDDEN = 64
BATCH = 8
QLEN = 32


def setup_inputs(seed: int = 0) -> dict:
    key = jax.random.key(seed)
    k1, k2, k3 = jax.random.split(key, 3)
    input_ids = jax.random.randint(k1, (BATCH, QLEN), 0, VOCAB, dtype=jnp.int64 if jax.config.jax_enable_x64 else jnp.int32)
    embed = jax.random.normal(k2, (VOCAB, HIDDEN), dtype=jnp.float32) * 0.02
    head_w = jax.random.normal(k3, (VOCAB, HIDDEN), dtype=jnp.float32) * 0.02
    return {"input_ids": input_ids, "embed": embed, "head_w": head_w}


def reference(input_ids, embed, head_w):
    # h = self.embed(input_ids)  -> gather rows from embedding table
    h = jnp.take(embed, input_ids, axis=0)  # [B, L, HIDDEN]
    # logits = self.head(h), nn.Linear(hidden, vocab, bias=False): y = h @ W^T
    logits = h @ head_w.T  # [B, L, VOCAB]
    return logits

if __name__ == "__main__":
    import jax
    _d = setup_inputs()
    print(jax.jit(kernel)(*tuple(_d.values())))

</pallas_src>

<mosaic_0001>
#map = affine_map<(d0, d1) -> (0, 0)>
#map1 = affine_map<(d0, d1) -> (0)>
module attributes {stable_mosaic.version = 14 : i64} {
  func.func @gather_kernel(%arg0: i32, %arg1: i32, %arg2: memref<64x100000xf32, #tpu.memory_space<hbm>>, %arg3: memref<256xi32, #tpu.memory_space<hbm>>, %arg4: memref<256x64xf32, #tpu.memory_space<hbm>>, %arg5: memref<16xi32, #tpu.memory_space<vmem>>, %arg6: memref<8x64x128xf32, #tpu.memory_space<vmem>>, %arg7: memref<8x64xf32, #tpu.memory_space<vmem>>, %arg8: memref<!tpu.dma_semaphore, #tpu.memory_space<semaphore_mem>>) attributes {dimension_semantics = [#tpu.dimension_semantics<core_parallel>, #tpu.dimension_semantics<subcore_parallel>], iteration_bounds = array<i64: 2, 16>, scalar_prefetch = 0 : i64, scratch_operands = 4 : i64, tpu.core_type = #tpu.core_type<sc_vector_subcore>, window_params = [{transform_indices = #map}, {transform_indices = #map1}, {transform_indices = #map}]} {
    %mul3A = arith.constant 2 : i32
    %mul3A_0 = arith.muli %arg1, %mul3A : i32
    %add3A = arith.addi %mul3A_0, %arg0 : i32
    %mul3A_1 = arith.constant 8 : i32
    %mul3A_2 = arith.muli %add3A, %mul3A_1 : i32
    "tpu.region"() ({
      %run_scoped3A = tpu.sem_alloc : memref<!tpu.dma_semaphore, #tpu.memory_space<semaphore_mem>>
      %dma_start3A_1076 = arith.constant 0 : i32
      %dma_start3A_1077 = tpu.memref_slice %arg5[%dma_start3A_1076] : memref<16xi32, #tpu.memory_space<vmem>> -> memref<8xi32, #tpu.memory_space<vmem>>
      %dma_start3A_1078 = tpu.memref_slice %arg3[%mul3A_2] : memref<256xi32, #tpu.memory_space<hbm>> -> memref<8xi32, #tpu.memory_space<hbm>>
      %dma_start3A_1079 = arith.constant 0 : i32
      %dma_start3A_1080 = tpu.memref_slice %arg5[%dma_start3A_1079] : memref<16xi32, #tpu.memory_space<vmem>> -> memref<8xi32, #tpu.memory_space<vmem>>
      %dma_start3A_1081 = tpu.memref_slice %arg3[%mul3A_2] : memref<256xi32, #tpu.memory_space<hbm>> -> memref<8xi32, #tpu.memory_space<hbm>>
      tpu.enqueue_dma source(%dma_start3A_1081 : memref<8xi32, #tpu.memory_space<hbm>>) target(%dma_start3A_1080 : memref<8xi32, #tpu.memory_space<vmem>>) target_semaphore(%run_scoped3A : memref<!tpu.dma_semaphore, #tpu.memory_space<semaphore_mem>>)
      %dma_wait3A_1082 = arith.constant 0 : i32
      %dma_wait3A_1083 = tpu.memref_slice %arg5[%dma_wait3A_1082] : memref<16xi32, #tpu.memory_space<vmem>> -> memref<8xi32, #tpu.memory_space<vmem>>
      %dma_wait3A_1084 = tpu.memref_slice %arg3[%mul3A_2] : memref<256xi32, #tpu.memory_space<hbm>> -> memref<8xi32, #tpu.memory_space<hbm>>
      %dma_wait3A_1085 = arith.constant 0 : i32
      %dma_wait3A_1086 = tpu.memref_slice %arg5[%dma_wait3A_1085] : memref<16xi32, #tpu.memory_space<vmem>> -> memref<8xi32, #tpu.memory_space<vmem>>
      %dma_wait3A_1087 = tpu.memref_slice %arg3[%mul3A_2] : memref<256xi32, #tpu.memory_space<hbm>> -> memref<8xi32, #tpu.memory_space<hbm>>
      tpu.wait_dma2 semaphore(%run_scoped3A : memref<!tpu.dma_semaphore, #tpu.memory_space<semaphore_mem>>) src(%dma_wait3A_1087 : memref<8xi32, #tpu.memory_space<hbm>>) dst(%dma_wait3A_1086 : memref<8xi32, #tpu.memory_space<vmem>>)
      tpu.yield
    }) : () -> ()
    %get3A = arith.constant 0 : index
    %get3A_3 = tpu.vector_load %arg5[%get3A] {strides = array<i32>} : memref<16xi32, #tpu.memory_space<vmem>>, vector<16xi32>,
    %iota3A = tpu.iota {dimensions = array<i32: 0>} : vector<16xi32>
    %eq3A = arith.constant 0 : i32
    %eq3A_4 = vector.broadcast %eq3A : i32 to vector<16xi32>
    %eq3A_5 = arith.cmpi eq, %iota3A, %eq3A_4 : vector<16xi32>
    %jit3A = arith.constant 0 : i32
    %broadcast_in_dim3A = vector.broadcast %jit3A : i32 to vector<16xi32>
    %select_n3A = arith.select %eq3A_5, %get3A_3, %broadcast_in_dim3A : vector<16xi1>, vector<16xi32>
    %reduce_max3A = arith.constant true
    %reduce_max3A_6 = vector.broadcast %reduce_max3A : i1 to vector<16xi1>
    %reduce_max3A_7 = arith.constant -2147483648 : i32
    %reduce_max3A_8 = vector.broadcast %reduce_max3A_7 : i32 to vector<16xi32>
    %reduce_max3A_9 = arith.xori %select_n3A, %reduce_max3A_8 : vector<16xi32>
    %reduce_max3A_10 = tpu.scan <max>, %reduce_max3A_9 masked %reduce_max3A_6 : vector<16xi32>, vector<16xi1> -> vector<16xi32>
    %reduce_max3A_11 = arith.xori %reduce_max3A_10, %reduce_max3A_8 : vector<16xi32>
    %reduce_max3A_12 = vector.extract %reduce_max3A_11[15] : i32 from vector<16xi32>
    %jit3A_13 = arith.constant 128 : i32
    %div3A = arith.divsi %reduce_max3A_12, %jit3A_13 : i32
    %sign3A = arith.constant 0 : i32
    %sign3A_14 = arith.cmpi sgt, %reduce_max3A_12, %sign3A : i32
    %sign3A_15 = arith.extui %sign3A_14 : i1 to i32
    %sign3A_16 = arith.constant 0 : i32
    %sign3A_17 = arith.cmpi slt, %reduce_max3A_12, %sign3A_16 : i32
    %sign3A_18 = arith.extui %sign3A_17 : i1 to i32
    %sign3A_19 = arith.subi %sign3A_15, %sign3A_18 : i32
    %sign3A_20 = arith.constant 0 : i32
    %sign3A_21 = arith.cmpi sgt, %jit3A_13, %sign3A_20 : i32
    %sign3A_22 = arith.extui %sign3A_21 : i1 to i32
    %sign3A_23 = arith.constant 0 : i32
    %sign3A_24 = arith.cmpi slt, %jit3A_13, %sign3A_23 : i32
    %sign3A_25 = arith.extui %sign3A_24 : i1 to i32
    %sign3A_26 = arith.subi %sign3A_22, %sign3A_25 : i32
    %ne3A = arith.cmpi ne, %sign3A_19, %sign3A_26 : i32
    %rem3A = arith.remsi %reduce_max3A_12, %jit3A_13 : i32
    %ne3A_27 = arith.constant 0 : i32
    %ne3A_28 = arith.cmpi ne, %rem3A, %ne3A_27 : i32
    %and3A = arith.andi %ne3A, %ne3A_28 : i1
    %sub3A = arith.constant 1 : i32
    %sub3A_29 = arith.subi %div3A, %sub3A : i32
    %select_n3A_30 = arith.select %and3A, %sub3A_29, %div3A : i32
    %mul3A_31 = arith.constant 128 : i32
    %mul3A_32 = arith.muli %select_n3A_30, %mul3A_31 : i32
    %multiple_of3A = tpu.assume_multiple %mul3A_32, 128 : i32
    %sub3A_33 = arith.subi %reduce_max3A_12, %multiple_of3A : i32
    %dma_start3A = arith.constant 0 : i32
    %dma_start3A_34 = arith.constant 0 : i32
    %dma_start3A_35 = arith.constant 0 : i32
    %dma_start3A_36 = tpu.memref_slice %arg6[%dma_start3A, %dma_start3A_34, %dma_start3A_35] : memref<8x64x128xf32, #tpu.memory_space<vmem>> -> memref<1x64x128xf32, #tpu.memory_space<vmem>>
    %dma_start3A_37 = tpu.memref_squeeze %dma_start3A_36 : memref<1x64x128xf32, #tpu.memory_space<vmem>> -> memref<64x128xf32, #tpu.memory_space<vmem>>
    %dma_start3A_38 = arith.constant 0 : i32
    %dma_start3A_39 = tpu.memref_slice %arg2[%dma_start3A_38, %multiple_of3A] : memref<64x100000xf32, #tpu.memory_space<hbm>> -> memref<64x128xf32, #tpu.memory_space<hbm>>
    %dma_start3A_40 = arith.constant 0 : i32
    %dma_start3A_41 = arith.constant 0 : i32
    %dma_start3A_42 = tpu.memref_slice %arg6[%dma_start3A, %dma_start3A_40, %dma_start3A_41] : memref<8x64x128xf32, #tpu.memory_space<vmem>> -> memref<1x64x128xf32, #tpu.memory_space<vmem>>
    %dma_start3A_43 = tpu.memref_squeeze %dma_start3A_42 : memref<1x64x128xf32, #tpu.memory_space<vmem>> -> memref<64x128xf32, #tpu.memory_space<vmem>>
    %dma_start3A_44 = arith.constant 0 : i32
    %dma_start3A_45 = tpu.memref_slice %arg2[%dma_start3A_44, %multiple_of3A] : memref<64x100000xf32, #tpu.memory_space<hbm>> -> memref<64x128xf32, #tpu.memory_space<hbm>>
    tpu.enqueue_dma source(%dma_start3A_45 : memref<64x128xf32, #tpu.memory_space<hbm>>) target(%dma_start3A_43 : memref<64x128xf32, #tpu.memory_space<vmem>>) target_semaphore(%arg8 : memref<!tpu.dma_semaphore, #tpu.memory_space<semaphore_mem>>)
    %eq3A_46 = arith.constant 1 : i32
    %eq3A_47 = vector.broadcast %eq3A_46 : i32 to vector<16xi32>
    %eq3A_48 = arith.cmpi eq, %iota3A, %eq3A_47 : vector<16xi32>
    %jit3A_49 = arith.constant 0 : i32
    %broadcast_in_dim3A_50 = vector.broadcast %jit3A_49 : i32 to vector<16xi32>
    %select_n3A_51 = arith.select %eq3A_48, %get3A_3, %broadcast_in_dim3A_50 : vector<16xi1>, vector<16xi32>
    %reduce_max3A_52 = arith.constant true
    %reduce_max3A_53 = vector.broadcast %reduce_max3A_52 : i1 to vector<16xi1>
    %reduce_max3A_54 = arith.constant -2147483648 : i32
    %reduce_max3A_55 = vector.broadcast %reduce_max3A_54 : i32 to vector<16xi32>
    %reduce_max3A_56 = arith.xori %select_n3A_51, %reduce_max3A_55 : vector<16xi32>
    %reduce_max3A_57 = tpu.scan <max>, %reduce_max3A_56 masked %reduce_max3A_53 : vector<16xi32>, vector<16xi1> -> vector<16xi32>
    %reduce_max3A_58 = arith.xori %reduce_max3A_57, %reduce_max3A_55 : vector<16xi32>
    %reduce_max3A_59 = vector.extract %reduce_max3A_58[15] : i32 from vector<16xi32>
    %jit3A_60 = arith.constant 128 : i32
    %div3A_61 = arith.divsi %reduce_max3A_59, %jit3A_60 : i32
    %sign3A_62 = arith.constant 0 : i32
    %sign3A_63 = arith.cmpi sgt, %reduce_max3A_59, %sign3A_62 : i32
    %sign3A_64 = arith.extui %sign3A_63 : i1 to i32
    %sign3A_65 = arith.constant 0 : i32
    %sign3A_66 = arith.cmpi slt, %reduce_max3A_59, %sign3A_65 : i32
    %sign3A_67 = arith.extui %sign3A_66 : i1 to i32
    %sign3A_68 = arith.subi %sign3A_64, %sign3A_67 : i32
    %sign3A_69 = arith.constant 0 : i32
    %sign3A_70 = arith.cmpi sgt, %jit3A_60, %sign3A_69 : i32
    %sign3A_71 = arith.extui %sign3A_70 : i1 to i32
    %sign3A_72 = arith.constant 0 : i32
    %sign3A_73 = arith.cmpi slt, %jit3A_60, %sign3A_72 : i32
    %sign3A_74 = arith.extui %sign3A_73 : i1 to i32
    %sign3A_75 = arith.subi %sign3A_71, %sign3A_74 : i32
    %ne3A_76 = arith.cmpi ne, %sign3A_68, %sign3A_75 : i32
    %rem3A_77 = arith.remsi %reduce_max3A_59, %jit3A_60 : i32
    %ne3A_78 = arith.constant 0 : i32
    %ne3A_79 = arith.cmpi ne, %rem3A_77, %ne3A_78 : i32
    %and3A_80 = arith.andi %ne3A_76, %ne3A_79 : i1
    %sub3A_81 = arith.constant 1 : i32
    %sub3A_82 = arith.subi %div3A_61, %sub3A_81 : i32
    %select_n3A_83 = arith.select %and3A_80, %sub3A_82, %div3A_61 : i32
    %mul3A_84 = arith.constant 128 : i32
    %mul3A_85 = arith.muli %select_n3A_83, %mul3A_84 : i32
    %multiple_of3A_86 = tpu.assume_multiple %mul3A_85, 128 : i32
    %sub3A_87 = arith.subi %reduce_max3A_59, %multiple_of3A_86 : i32
    %dma_start3A_88 = arith.constant 1 : i32
    %dma_start3A_89 = arith.constant 0 : i32
    %dma_start3A_90 = arith.constant 0 : i32
    %dma_start3A_91 = tpu.memref_slice %arg6[%dma_start3A_88, %dma_start3A_89, %dma_start3A_90] : memref<8x64x128xf32, #tpu.memory_space<vmem>> -> memref<1x64x128xf32, #tpu.memory_space<vmem>>
    %dma_start3A_92 = tpu.memref_squeeze %dma_start3A_91 : memref<1x64x128xf32, #tpu.memory_space<vmem>> -> memref<64x128xf32, #tpu.memory_space<vmem>>
    %dma_start3A_93 = arith.constant 0 : i32
    %dma_start3A_94 = tpu.memref_slice %arg2[%dma_start3A_93, %multiple_of3A_86] : memref<64x100000xf32, #tpu.memory_space<hbm>> -> memref<64x128xf32, #tpu.memory_space<hbm>>
    %dma_start3A_95 = arith.constant 0 : i32
    %dma_start3A_96 = arith.constant 0 : i32
    %dma_start3A_97 = tpu.memref_slice %arg6[%dma_start3A_88, %dma_start3A_95, %dma_start3A_96] : memref<8x64x128xf32, #tpu.memory_space<vmem>> -> memref<1x64x128xf32, #tpu.memory_space<vmem>>
    %dma_start3A_98 = tpu.memref_squeeze %dma_start3A_97 : memref<1x64x128xf32, #tpu.memory_space<vmem>> -> memref<64x128xf32, #tpu.memory_space<vmem>>
    %dma_start3A_99 = arith.constant 0 : i32
    %dma_start3A_100 = tpu.memref_slice %arg2[%dma_start3A_99, %multiple_of3A_86] : memref<64x100000xf32, #tpu.memory_space<hbm>> -> memref<64x128xf32, #tpu.memory_space<hbm>>
    tpu.enqueue_dma source(%dma_start3A_100 : memref<64x128xf32, #tpu.memory_space<hbm>>) target(%dma_start3A_98 : memref<64x128xf32, #tpu.memory_space<vmem>>) target_semaphore(%arg8 : memref<!tpu.dma_semaphore, #tpu.memory_space<semaphore_mem>>)
    %eq3A_101 = arith.constant 2 : i32
    %eq3A_102 = vector.broadcast %eq3A_101 : i32 to vector<16xi32>
    %eq3A_103 = arith.cmpi eq, %iota3A, %eq3A_102 : vector<16xi32>
    %jit3A_104 = arith.constant 0 : i32
    %broadcast_in_dim3A_105 = vector.broadcast %jit3A_104 : i32 to vector<16xi32>
    %select_n3A_106 = arith.select %eq3A_103, %get3A_3, %broadcast_in_dim3A_105 : vector<16xi1>, vector<16xi32>
    %reduce_max3A_107 = arith.constant true
    %reduce_max3A_108 = vector.broadcast %reduce_max3A_107 : i1 to vector<16xi1>
    %reduce_max3A_109 = arith.constant -2147483648 : i32
    %reduce_max3A_110 = vector.broadcast %reduce_max3A_109 : i32 to vector<16xi32>
    %reduce_max3A_111 = arith.xori %select_n3A_106, %reduce_max3A_110 : vector<16xi32>
    %reduce_max3A_112 = tpu.scan <max>, %reduce_max3A_111 masked %reduce_max3A_108 : vector<16xi32>, vector<16xi1> -> vector<16xi32>
    %reduce_max3A_113 = arith.xori %reduce_max3A_112, %reduce_max3A_110 : vector<16xi32>
    %reduce_max3A_114 = vector.extract %reduce_max3A_113[15] : i32 from vector<16xi32>
    %jit3A_115 = arith.constant 128 : i32
    %div3A_116 = arith.divsi %reduce_max3A_114, %jit3A_115 : i32
    %sign3A_117 = arith.constant 0 : i32
    %sign3A_118 = arith.cmpi sgt, %reduce_max3A_114, %sign3A_117 : i32
    %sign3A_119 = arith.extui %sign3A_118 : i1 to i32
    %sign3A_120 = arith.constant 0 : i32
    %sign3A_121 = arith.cmpi slt, %reduce_max3A_114, %sign3A_120 : i32
    %sign3A_122 = arith.extui %sign3A_121 : i1 to i32
    %sign3A_123 = arith.subi %sign3A_119, %sign3A_122 : i32
    %sign3A_124 = arith.constant 0 : i32
    %sign3A_125 = arith.cmpi sgt, %jit3A_115, %sign3A_124 : i32
    %sign3A_126 = arith.extui %sign3A_125 : i1 to i32
    %sign3A_127 = arith.constant 0 : i32
    %sign3A_128 = arith.cmpi slt, %jit3A_115, %sign3A_127 : i32
    %sign3A_129 = arith.extui %sign3A_128 : i1 to i32
    %sign3A_130 = arith.subi %sign3A_126, %sign3A_129 : i32
    %ne3A_131 = arith.cmpi ne, %sign3A_123, %sign3A_130 : i32
    %rem3A_132 = arith.remsi %reduce_max3A_114, %jit3A_115 : i32
    %ne3A_133 = arith.constant 0 : i32
    %ne3A_134 = arith.cmpi ne, %rem3A_132, %ne3A_133 : i32
    %and3A_135 = arith.andi %ne3A_131, %ne3A_134 : i1
    %sub3A_136 = arith.constant 1 : i32
    %sub3A_137 = arith.subi %div3A_116, %sub3A_136 : i32
    %select_n3A_138 = arith.select %and3A_135, %sub3A_137, %div3A_116 : i32
    %mul3A_139 = arith.constant 128 : i32
    %mul3A_140 = arith.muli %select_n3A_138, %mul3A_139 : i32
    %multiple_of3A_141 = tpu.assume_multiple %mul3A_140, 128 : i32
    %sub3A_142 = arith.subi %reduce_max3A_114, %multiple_of3A_141 : i32
    %dma_start3A_143 = arith.constant 2 : i32
    %dma_start3A_144 = arith.constant 0 : i32
    %dma_start3A_145 = arith.constant 0 : i32
    %dma_start3A_146 = tpu.memref_slice %arg6[%dma_start3A_143, %dma_start3A_144, %dma_start3A_145] : memref<8x64x128xf32, #tpu.memory_space<vmem>> -> memref<1x64x128xf32, #tpu.memory_space<vmem>>
    %dma_start3A_147 = tpu.memref_squeeze %dma_start3A_146 : memref<1x64x128xf32, #tpu.memory_space<vmem>> -> memref<64x128xf32, #tpu.memory_space<vmem>>
    %dma_start3A_148 = arith.constant 0 : i32
    %dma_start3A_149 = tpu.memref_slice %arg2[%dma_start3A_148, %multiple_of3A_141] : memref<64x100000xf32, #tpu.memory_space<hbm>> -> memref<64x128xf32, #tpu.memory_space<hbm>>
    %dma_start3A_150 = arith.constant 0 : i32
    %dma_start3A_151 = arith.constant 0 : i32
    %dma_start3A_152 = tpu.memref_slice %arg6[%dma_start3A_143, %dma_start3A_150, %dma_start3A_151] : memref<8x64x128xf32, #tpu.memory_space<vmem>> -> memref<1x64x128xf32, #tpu.memory_space<vmem>>
    %dma_start3A_153 = tpu.memref_squeeze %dma_start3A_152 : memref<1x64x128xf32, #tpu.memory_space<vmem>> -> memref<64x128xf32, #tpu.memory_space<vmem>>
    %dma_start3A_154 = arith.constant 0 : i32
    %dma_start3A_155 = tpu.memref_slice %arg2[%dma_start3A_154, %multiple_of3A_141] : memref<64x100000xf32, #tpu.memory_space<hbm>> -> memref<64x128xf32, #tpu.memory_space<hbm>>
    tpu.enqueue_dma source(%dma_start3A_155 : memref<64x128xf32, #tpu.memory_space<hbm>>) target(%dma_start3A_153 : memref<64x128xf32, #tpu.memory_space<vmem>>) target_semaphore(%arg8 : memref<!tpu.dma_semaphore, #tpu.memory_space<semaphore_mem>>)
    %eq3A_156 = arith.constant 3 : i32
    %eq3A_157 = vector.broadcast %eq3A_156 : i32 to vector<16xi32>
    %eq3A_158 = arith.cmpi eq, %iota3A, %eq3A_157 : vector<16xi32>
    %jit3A_159 = arith.constant 0 : i32
    %broadcast_in_dim3A_160 = vector.broadcast %jit3A_159 : i32 to vector<16xi32>
    %select_n3A_161 = arith.select %eq3A_158, %get3A_3, %broadcast_in_dim3A_160 : vector<16xi1>, vector<16xi32>
    %reduce_max3A_162 = arith.constant true
    %reduce_max3A_163 = vector.broadcast %reduce_max3A_162 : i1 to vector<16xi1>
    %reduce_max3A_164 = arith.constant -2147483648 : i32
    %reduce_max3A_165 = vector.broadcast %reduce_max3A_164 : i32 to vector<16xi32>
    %reduce_max3A_166 = arith.xori %select_n3A_161, %reduce_max3A_165 : vector<16xi32>
    %reduce_max3A_167 = tpu.scan <max>, %reduce_max3A_166 masked %reduce_max3A_163 : vector<16xi32>, vector<16xi1> -> vector<16xi32>
    %reduce_max3A_168 = arith.xori %reduce_max3A_167, %reduce_max3A_165 : vector<16xi32>
    %reduce_max3A_169 = vector.extract %reduce_max3A_168[15] : i32 from vector<16xi32>
    %jit3A_170 = arith.constant 128 : i32
    %div3A_171 = arith.divsi %reduce_max3A_169, %jit3A_170 : i32
    %sign3A_172 = arith.constant 0 : i32
    %sign3A_173 = arith.cmpi sgt, %reduce_max3A_169, %sign3A_172 : i32
    %sign3A_174 = arith.extui %sign3A_173 : i1 to i32
    %sign3A_175 = arith.constant 0 : i32
    %sign3A_176 = arith.cmpi slt, %reduce_max3A_169, %sign3A_175 : i32
    %sign3A_177 = arith.extui %sign3A_176 : i1 to i32
    %sign3A_178 = arith.subi %sign3A_174, %sign3A_177 : i32
    %sign3A_179 = arith.constant 0 : i32
    %sign3A_180 = arith.cmpi sgt, %jit3A_170, %sign3A_179 : i32
    %sign3A_181 = arith.extui %sign3A_180 : i1 to i32
    %sign3A_182 = arith.constant 0 : i32
    %sign3A_183 = arith.cmpi slt, %jit3A_170, %sign3A_182 : i32
    %sign3A_184 = arith.extui %sign3A_183 : i1 to i32
    %sign3A_185 = arith.subi %sign3A_181, %sign3A_184 : i32
    %ne3A_186 = arith.cmpi ne, %sign3A_178, %sign3A_185 : i32
    %rem3A_187 = arith.remsi %reduce_max3A_169, %jit3A_170 : i32
    %ne3A_188 = arith.constant 0 : i32
    %ne3A_189 = arith.cmpi ne, %rem3A_187, %ne3A_188 : i32
    %and3A_190 = arith.andi %ne3A_186, %ne3A_189 : i1
    %sub3A_191 = arith.constant 1 : i32
    %sub3A_192 = arith.subi %div3A_171, %sub3A_191 : i32
    %select_n3A_193 = arith.select %and3A_190, %sub3A_192, %div3A_171 : i32
    %mul3A_194 = arith.constant 128 : i32
    %mul3A_195 = arith.muli %select_n3A_193, %mul3A_194 : i32
    %multiple_of3A_196 = tpu.assume_multiple %mul3A_195, 128 : i32
    %sub3A_197 = arith.subi %reduce_max3A_169, %multiple_of3A_196 : i32
    %dma_start3A_198 = arith.constant 3 : i32
    %dma_start3A_199 = arith.constant 0 : i32
    %dma_start3A_200 = arith.constant 0 : i32
    %dma_start3A_201 = tpu.memref_slice %arg6[%dma_start3A_198, %dma_start3A_199, %dma_start3A_200] : memref<8x64x128xf32, #tpu.memory_space<vmem>> -> memref<1x64x128xf32, #tpu.memory_space<vmem>>
    %dma_start3A_202 = tpu.memref_squeeze %dma_start3A_201 : memref<1x64x128xf32, #tpu.memory_space<vmem>> -> memref<64x128xf32, #tpu.memory_space<vmem>>
    %dma_start3A_203 = arith.constant 0 : i32
    %dma_start3A_204 = tpu.memref_slice %arg2[%dma_start3A_203, %multiple_of3A_196] : memref<64x100000xf32, #tpu.memory_space<hbm>> -> memref<64x128xf32, #tpu.memory_space<hbm>>
    %dma_start3A_205 = arith.constant 0 : i32
    %dma_start3A_206 = arith.constant 0 : i32
    %dma_start3A_207 = tpu.memref_slice %arg6[%dma_start3A_198, %dma_start3A_205, %dma_start3A_206] : memref<8x64x128xf32, #tpu.memory_space<vmem>> -> memref<1x64x128xf32, #tpu.memory_space<vmem>>
    %dma_start3A_208 = tpu.memref_squeeze %dma_start3A_207 : memref<1x64x128xf32, #tpu.memory_space<vmem>> -> memref<64x128xf32, #tpu.memory_space<vmem>>
    %dma_start3A_209 = arith.constant 0 : i32
    %dma_start3A_210 = tpu.memref_slice %arg2[%dma_start3A_209, %multiple_of3A_196] : memref<64x100000xf32, #tpu.memory_space<hbm>> -> memref<64x128xf32, #tpu.memory_space<hbm>>
    tpu.enqueue_dma source(%dma_start3A_210 : memref<64x128xf32, #tpu.memory_space<hbm>>) target(%dma_start3A_208 : memref<64x128xf32, #tpu.memory_space<vmem>>) target_semaphore(%arg8 : memref<!tpu.dma_semaphore, #tpu.memory_space<semaphore_mem>>)
    %eq3A_211 = arith.constant 4 : i32
    %eq3A_212 = vector.broadcast %eq3A_211 : i32 to vector<16xi32>
    %eq3A_213 = arith.cmpi eq, %iota3A, %eq3A_212 : vector<16xi32>
    %jit3A_214 = arith.constant 0 : i32
    %broadcast_in_dim3A_215 = vector.broadcast %jit3A_214 : i32 to vector<16xi32>
    %select_n3A_216 = arith.select %eq3A_213, %get3A_3, %broadcast_in_dim3A_215 : vector<16xi1>, vector<16xi32>
    %reduce_max3A_217 = arith.constant true
    %reduce_max3A_218 = vector.broadcast %reduce_max3A_217 : i1 to vector<16xi1>
    %reduce_max3A_219 = arith.constant -2147483648 : i32
    %reduce_max3A_220 = vector.broadcast %reduce_max3A_219 : i32 to vector<16xi32>
    %reduce_max3A_221 = arith.xori %select_n3A_216, %reduce_max3A_220 : vector<16xi32>
    %reduce_max3A_222 = tpu.scan <max>, %reduce_max3A_221 masked %reduce_max3A_218 : vector<16xi32>, vector<16xi1> -> vector<16xi32>
    %reduce_max3A_223 = arith.xori %reduce_max3A_222, %reduce_max3A_220 : vector<16xi32>
    %reduce_max3A_224 = vector.extract %reduce_max3A_223[15] : i32 from vector<16xi32>
    %jit3A_225 = arith.constant 128 : i32
    %div3A_226 = arith.divsi %reduce_max3A_224, %jit3A_225 : i32
    %sign3A_227 = arith.constant 0 : i32
    %sign3A_228 = arith.cmpi sgt, %reduce_max3A_224, %sign3A_227 : i32
    %sign3A_229 = arith.extui %sign3A_228 : i1 to i32
    %sign3A_230 = arith.constant 0 : i32
    %sign3A_231 = arith.cmpi slt, %reduce_max3A_224, %sign3A_230 : i32
    %sign3A_232 = arith.extui %sign3A_231 : i1 to i32
    %sign3A_233 = arith.subi %sign3A_229, %sign3A_232 : i32
    %sign3A_234 = arith.constant 0 : i32
    %sign3A_235 = arith.cmpi sgt, %jit3A_225, %sign3A_234 : i32
    %sign3A_236 = arith.extui %sign3A_235 : i1 to i32
    %sign3A_237 = arith.constant 0 : i32
    %sign3A_238 = arith.cmpi slt, %jit3A_225, %sign3A_237 : i32
    %sign3A_239 = arith.extui %sign3A_238 : i1 to i32
    %sign3A_240 = arith.subi %sign3A_236, %sign3A_239 : i32
    %ne3A_241 = arith.cmpi ne, %sign3A_233, %sign3A_240 : i32
    %rem3A_242 = arith.remsi %reduce_max3A_224, %jit3A_225 : i32
    %ne3A_243 = arith.constant 0 : i32
    %ne3A_244 = arith.cmpi ne, %rem3A_242, %ne3A_243 : i32
    %and3A_245 = arith.andi %ne3A_241, %ne3A_244 : i1
    %sub3A_246 = arith.constant 1 : i32
    %sub3A_247 = arith.subi %div3A_226, %sub3A_246 : i32
    %select_n3A_248 = arith.select %and3A_245, %sub3A_247, %div3A_226 : i32
    %mul3A_249 = arith.constant 128 : i32
    %mul3A_250 = arith.muli %select_n3A_248, %mul3A_249 : i32
    %multiple_of3A_251 = tpu.assume_multiple %mul3A_250, 128 : i32
    %sub3A_252 = arith.subi %reduce_max3A_224, %multiple_of3A_251 : i32
    %dma_start3A_253 = arith.constant 4 : i32
    %dma_start3A_254 = arith.constant 0 : i32
    %dma_start3A_255 = arith.constant 0 : i32
    %dma_start3A_256 = tpu.memref_slice %arg6[%dma_start3A_253, %dma_start3A_254, %dma_start3A_255] : memref<8x64x128xf32, #tpu.memory_space<vmem>> -> memref<1x64x128xf32, #tpu.memory_space<vmem>>
    %dma_start3A_257 = tpu.memref_squeeze %dma_start3A_256 : memref<1x64x128xf32, #tpu.memory_space<vmem>> -> memref<64x128xf32, #tpu.memory_space<vmem>>
    %dma_start3A_258 = arith.constant 0 : i32
    %dma_start3A_259 = tpu.memref_slice %arg2[%dma_start3A_258, %multiple_of3A_251] : memref<64x100000xf32, #tpu.memory_space<hbm>> -> memref<64x128xf32, #tpu.memory_space<hbm>>
    %dma_start3A_260 = arith.constant 0 : i32
    %dma_start3A_261 = arith.constant 0 : i32
    %dma_start3A_262 = tpu.memref_slice %arg6[%dma_start3A_253, %dma_start3A_260, %dma_start3A_261] : memref<8x64x128xf32, #tpu.memory_space<vmem>> -> memref<1x64x128xf32, #tpu.memory_space<vmem>>
    %dma_start3A_263 = tpu.memref_squeeze %dma_start3A_262 : memref<1x64x128xf32, #tpu.memory_space<vmem>> -> memref<64x128xf32, #tpu.memory_space<vmem>>
    %dma_start3A_264 = arith.constant 0 : i32
    %dma_start3A_265 = tpu.memref_slice %arg2[%dma_start3A_264, %multiple_of3A_251] : memref<64x100000xf32, #tpu.memory_space<hbm>> -> memref<64x128xf32, #tpu.memory_space<hbm>>
    tpu.enqueue_dma source(%dma_start3A_265 : memref<64x128xf32, #tpu.memory_space<hbm>>) target(%dma_start3A_263 : memref<64x128xf32, #tpu.memory_space<vmem>>) target_semaphore(%arg8 : memref<!tpu.dma_semaphore, #tpu.memory_space<semaphore_mem>>)
    %eq3A_266 = arith.constant 5 : i32
    %eq3A_267 = vector.broadcast %eq3A_266 : i32 to vector<16xi32>
    %eq3A_268 = arith.cmpi eq, %iota3A, %eq3A_267 : vector<16xi32>
    %jit3A_269 = arith.constant 0 : i32
    %broadcast_in_dim3A_270 = vector.broadcast %jit3A_269 : i32 to vector<16xi32>
    %select_n3A_271 = arith.select %eq3A_268, %get3A_3, %broadcast_in_dim3A_270 : vector<16xi1>, vector<16xi32>
    %reduce_max3A_272 = arith.constant true
    %reduce_max3A_273 = vector.broadcast %reduce_max3A_272 : i1 to vector<16xi1>
    %reduce_max3A_274 = arith.constant -2147483648 : i32
    %reduce_max3A_275 = vector.broadcast %reduce_max3A_274 : i32 to vector<16xi32>
    %reduce_max3A_276 = arith.xori %select_n3A_271, %reduce_max3A_275 : vector<16xi32>
    %reduce_max3A_277 = tpu.scan <max>, %reduce_max3A_276 masked %reduce_max3A_273 : vector<16xi32>, vector<16xi1> -> vector<16xi32>
    %reduce_max3A_278 = arith.xori %reduce_max3A_277, %reduce_max3A_275 : vector<16xi32>
    %reduce_max3A_279 = vector.extract %reduce_max3A_278[15] : i32 from vector<16xi32>
    %jit3A_280 = arith.constant 128 : i32
    %div3A_281 = arith.divsi %reduce_max3A_279, %jit3A_280 : i32
    %sign3A_282 = arith.constant 0 : i32
    %sign3A_283 = arith.cmpi sgt, %reduce_max3A_279, %sign3A_282 : i32
    %sign3A_284 = arith.extui %sign3A_283 : i1 to i32
    %sign3A_285 = arith.constant 0 : i32
    %sign3A_286 = arith.cmpi slt, %reduce_max3A_279, %sign3A_285 : i32
    %sign3A_287 = arith.extui %sign3A_286 : i1 to i32
    %sign3A_288 = arith.subi %sign3A_284, %sign3A_287 : i32
    %sign3A_289 = arith.constant 0 : i32
    %sign3A_290 = arith.cmpi sgt, %jit3A_280, %sign3A_289 : i32
    %sign3A_291 = arith.extui %sign3A_290 : i1 to i32
    %sign3A_292 = arith.constant 0 : i32
    %sign3A_293 = arith.cmpi slt, %jit3A_280, %sign3A_292 : i32
    %sign3A_294 = arith.extui %sign3A_293 : i1 to i32
    %sign3A_295 = arith.subi %sign3A_291, %sign3A_294 : i32
    %ne3A_296 = arith.cmpi ne, %sign3A_288, %sign3A_295 : i32
    %rem3A_297 = arith.remsi %reduce_max3A_279, %jit3A_280 : i32
    %ne3A_298 = arith.constant 0 : i32
    %ne3A_299 = arith.cmpi ne, %rem3A_297, %ne3A_298 : i32
    %and3A_300 = arith.andi %ne3A_296, %ne3A_299 : i1
    %sub3A_301 = arith.constant 1 : i32
    %sub3A_302 = arith.subi %div3A_281, %sub3A_301 : i32
    %select_n3A_303 = arith.select %and3A_300, %sub3A_302, %div3A_281 : i32
    %mul3A_304 = arith.constant 128 : i32
    %mul3A_305 = arith.muli %select_n3A_303, %mul3A_304 : i32
    %multiple_of3A_306 = tpu.assume_multiple %mul3A_305, 128 : i32
    %sub3A_307 = arith.subi %reduce_max3A_279, %multiple_of3A_306 : i32
    %dma_start3A_308 = arith.constant 5 : i32
    %dma_start3A_309 = arith.constant 0 : i32
    %dma_start3A_310 = arith.constant 0 : i32
    %dma_start3A_311 = tpu.memref_slice %arg6[%dma_start3A_308, %dma_start3A_309, %dma_start3A_310] : memref<8x64x128xf32, #tpu.memory_space<vmem>> -> memref<1x64x128xf32, #tpu.memory_space<vmem>>
    %dma_start3A_312 = tpu.memref_squeeze %dma_start3A_311 : memref<1x64x128xf32, #tpu.memory_space<vmem>> -> memref<64x128xf32, #tpu.memory_space<vmem>>
    %dma_start3A_313 = arith.constant 0 : i32
    %dma_start3A_314 = tpu.memref_slice %arg2[%dma_start3A_313, %multiple_of3A_306] : memref<64x100000xf32, #tpu.memory_space<hbm>> -> memref<64x128xf32, #tpu.memory_space<hbm>>
    %dma_start3A_315 = arith.constant 0 : i32
    %dma_start3A_316 = arith.constant 0 : i32
    %dma_start3A_317 = tpu.memref_slice %arg6[%dma_start3A_308, %dma_start3A_315, %dma_start3A_316] : memref<8x64x128xf32, #tpu.memory_space<vmem>> -> memref<1x64x128xf32, #tpu.memory_space<vmem>>
    %dma_start3A_318 = tpu.memref_squeeze %dma_start3A_317 : memref<1x64x128xf32, #tpu.memory_space<vmem>> -> memref<64x128xf32, #tpu.memory_space<vmem>>
    %dma_start3A_319 = arith.constant 0 : i32
    %dma_start3A_320 = tpu.memref_slice %arg2[%dma_start3A_319, %multiple_of3A_306] : memref<64x100000xf32, #tpu.memory_space<hbm>> -> memref<64x128xf32, #tpu.memory_space<hbm>>
    tpu.enqueue_dma source(%dma_start3A_320 : memref<64x128xf32, #tpu.memory_space<hbm>>) target(%dma_start3A_318 : memref<64x128xf32, #tpu.memory_space<vmem>>) target_semaphore(%arg8 : memref<!tpu.dma_semaphore, #tpu.memory_space<semaphore_mem>>)
    %eq3A_321 = arith.constant 6 : i32
    %eq3A_322 = vector.broadcast %eq3A_321 : i32 to vector<16xi32>
    %eq3A_323 = arith.cmpi eq, %iota3A, %eq3A_322 : vector<16xi32>
    %jit3A_324 = arith.constant 0 : i32
    %broadcast_in_dim3A_325 = vector.broadcast %jit3A_324 : i32 to vector<16xi32>
    %select_n3A_326 = arith.select %eq3A_323, %get3A_3, %broadcast_in_dim3A_325 : vector<16xi1>, vector<16xi32>
    %reduce_max3A_327 = arith.constant true
    %reduce_max3A_328 = vector.broadcast %reduce_max3A_327 : i1 to vector<16xi1>
    %reduce_max3A_329 = arith.constant -2147483648 : i32
    %reduce_max3A_330 = vector.broadcast %reduce_max3A_329 : i32 to vector<16xi32>
    %reduce_max3A_331 = arith.xori %select_n3A_326, %reduce_max3A_330 : vector<16xi32>
    %reduce_max3A_332 = tpu.scan <max>, %reduce_max3A_331 masked %reduce_max3A_328 : vector<16xi32>, vector<16xi1> -> vector<16xi32>
    %reduce_max3A_333 = arith.xori %reduce_max3A_332, %reduce_max3A_330 : vector<16xi32>
    %reduce_max3A_334 = vector.extract %reduce_max3A_333[15] : i32 from vector<16xi32>
    %jit3A_335 = arith.constant 128 : i32
    %div3A_336 = arith.divsi %reduce_max3A_334, %jit3A_335 : i32
    %sign3A_337 = arith.constant 0 : i32
    %sign3A_338 = arith.cmpi sgt, %reduce_max3A_334, %sign3A_337 : i32
    %sign3A_339 = arith.extui %sign3A_338 : i1 to i32
    %sign3A_340 = arith.constant 0 : i32
    %sign3A_341 = arith.cmpi slt, %reduce_max3A_334, %sign3A_340 : i32
    %sign3A_342 = arith.extui %sign3A_341 : i1 to i32
    %sign3A_343 = arith.subi %sign3A_339, %sign3A_342 : i32
    %sign3A_344 = arith.constant 0 : i32
    %sign3A_345 = arith.cmpi sgt, %jit3A_335, %sign3A_344 : i32
    %sign3A_346 = arith.extui %sign3A_345 : i1 to i32
    %sign3A_347 = arith.constant 0 : i32
    %sign3A_348 = arith.cmpi slt, %jit3A_335, %sign3A_347 : i32
    %sign3A_349 = arith.extui %sign3A_348 : i1 to i32
    %sign3A_350 = arith.subi %sign3A_346, %sign3A_349 : i32
    %ne3A_351 = arith.cmpi ne, %sign3A_343, %sign3A_350 : i32
    %rem3A_352 = arith.remsi %reduce_max3A_334, %jit3A_335 : i32
    %ne3A_353 = arith.constant 0 : i32
    %ne3A_354 = arith.cmpi ne, %rem3A_352, %ne3A_353 : i32
    %and3A_355 = arith.andi %ne3A_351, %ne3A_354 : i1
    %sub3A_356 = arith.constant 1 : i32
    %sub3A_357 = arith.subi %div3A_336, %sub3A_356 : i32
    %select_n3A_358 = arith.select %and3A_355, %sub3A_357, %div3A_336 : i32
    %mul3A_359 = arith.constant 128 : i32
    %mul3A_360 = arith.muli %select_n3A_358, %mul3A_359 : i32
    %multiple_of3A_361 = tpu.assume_multiple %mul3A_360, 128 : i32
    %sub3A_362 = arith.subi %reduce_max3A_334, %multiple_of3A_361 : i32
    %dma_start3A_363 = arith.constant 6 : i32
    %dma_start3A_364 = arith.constant 0 : i32
    %dma_start3A_365 = arith.constant 0 : i32
    %dma_start3A_366 = tpu.memref_slice %arg6[%dma_start3A_363, %dma_start3A_364, %dma_start3A_365] : memref<8x64x128xf32, #tpu.memory_space<vmem>> -> memref<1x64x128xf32, #tpu.memory_space<vmem>>
    %dma_start3A_367 = tpu.memref_squeeze %dma_start3A_366 : memref<1x64x128xf32, #tpu.memory_space<vmem>> -> memref<64x128xf32, #tpu.memory_space<vmem>>
    %dma_start3A_368 = arith.constant 0 : i32
    %dma_start3A_369 = tpu.memref_slice %arg2[%dma_start3A_368, %multiple_of3A_361] : memref<64x100000xf32, #tpu.memory_space<hbm>> -> memref<64x128xf32, #tpu.memory_space<hbm>>
    %dma_start3A_370 = arith.constant 0 : i32
    %dma_start3A_371 = arith.constant 0 : i32
    %dma_start3A_372 = tpu.memref_slice %arg6[%dma_start3A_363, %dma_start3A_370, %dma_start3A_371] : memref<8x64x128xf32, #tpu.memory_space<vmem>> -> memref<1x64x128xf32, #tpu.memory_space<vmem>>
    %dma_start3A_373 = tpu.memref_squeeze %dma_start3A_372 : memref<1x64x128xf32, #tpu.memory_space<vmem>> -> memref<64x128xf32, #tpu.memory_space<vmem>>
    %dma_start3A_374 = arith.constant 0 : i32
    %dma_start3A_375 = tpu.memref_slice %arg2[%dma_start3A_374, %multiple_of3A_361] : memref<64x100000xf32, #tpu.memory_space<hbm>> -> memref<64x128xf32, #tpu.memory_space<hbm>>
    tpu.enqueue_dma source(%dma_start3A_375 : memref<64x128xf32, #tpu.memory_space<hbm>>) target(%dma_start3A_373 : memref<64x128xf32, #tpu.memory_space<vmem>>) target_semaphore(%arg8 : memref<!tpu.dma_semaphore, #tpu.memory_space<semaphore_mem>>)
    %eq3A_376 = arith.constant 7 : i32
    %eq3A_377 = vector.broadcast %eq3A_376 : i32 to vector<16xi32>
    %eq3A_378 = arith.cmpi eq, %iota3A, %eq3A_377 : vector<16xi32>
    %jit3A_379 = arith.constant 0 : i32
    %broadcast_in_dim3A_380 = vector.broadcast %jit3A_379 : i32 to vector<16xi32>
    %select_n3A_381 = arith.select %eq3A_378, %get3A_3, %broadcast_in_dim3A_380 : vector<16xi1>, vector<16xi32>
    %reduce_max3A_382 = arith.constant true
    %reduce_max3A_383 = vector.broadcast %reduce_max3A_382 : i1 to vector<16xi1>
    %reduce_max3A_384 = arith.constant -2147483648 : i32
    %reduce_max3A_385 = vector.broadcast %reduce_max3A_384 : i32 to vector<16xi32>
    %reduce_max3A_386 = arith.xori %select_n3A_381, %reduce_max3A_385 : vector<16xi32>
    %reduce_max3A_387 = tpu.scan <max>, %reduce_max3A_386 masked %reduce_max3A_383 : vector<16xi32>, vector<16xi1> -> vector<16xi32>
    %reduce_max3A_388 = arith.xori %reduce_max3A_387, %reduce_max3A_385 : vector<16xi32>
    %reduce_max3A_389 = vector.extract %reduce_max3A_388[15] : i32 from vector<16xi32>
    %jit3A_390 = arith.constant 128 : i32
    %div3A_391 = arith.divsi %reduce_max3A_389, %jit3A_390 : i32
    %sign3A_392 = arith.constant 0 : i32
    %sign3A_393 = arith.cmpi sgt, %reduce_max3A_389, %sign3A_392 : i32
    %sign3A_394 = arith.extui %sign3A_393 : i1 to i32
    %sign3A_395 = arith.constant 0 : i32
    %sign3A_396 = arith.cmpi slt, %reduce_max3A_389, %sign3A_395 : i32
    %sign3A_397 = arith.extui %sign3A_396 : i1 to i32
    %sign3A_398 = arith.subi %sign3A_394, %sign3A_397 : i32
    %sign3A_399 = arith.constant 0 : i32
    %sign3A_400 = arith.cmpi sgt, %jit3A_390, %sign3A_399 : i32
    %sign3A_401 = arith.extui %sign3A_400 : i1 to i32
    %sign3A_402 = arith.constant 0 : i32
    %sign3A_403 = arith.cmpi slt, %jit3A_390, %sign3A_402 : i32
    %sign3A_404 = arith.extui %sign3A_403 : i1 to i32
    %sign3A_405 = arith.subi %sign3A_401, %sign3A_404 : i32
    %ne3A_406 = arith.cmpi ne, %sign3A_398, %sign3A_405 : i32
    %rem3A_407 = arith.remsi %reduce_max3A_389, %jit3A_390 : i32
    %ne3A_408 = arith.constant 0 : i32
    %ne3A_409 = arith.cmpi ne, %rem3A_407, %ne3A_408 : i32
    %and3A_410 = arith.andi %ne3A_406, %ne3A_409 : i1
    %sub3A_411 = arith.constant 1 : i32
    %sub3A_412 = arith.subi %div3A_391, %sub3A_411 : i32
    %select_n3A_413 = arith.select %and3A_410, %sub3A_412, %div3A_391 : i32
    %mul3A_414 = arith.constant 128 : i32
    %mul3A_415 = arith.muli %select_n3A_413, %mul3A_414 : i32
    %multiple_of3A_416 = tpu.assume_multiple %mul3A_415, 128 : i32
    %sub3A_417 = arith.subi %reduce_max3A_389, %multiple_of3A_416 : i32
    %dma_start3A_418 = arith.constant 7 : i32
    %dma_start3A_419 = arith.constant 0 : i32
    %dma_start3A_420 = arith.constant 0 : i32
    %dma_start3A_421 = tpu.memref_slice %arg6[%dma_start3A_418, %dma_start3A_419, %dma_start3A_420] : memref<8x64x128xf32, #tpu.memory_space<vmem>> -> memref<1x64x128xf32, #tpu.memory_space<vmem>>
    %dma_start3A_422 = tpu.memref_squeeze %dma_start3A_421 : memref<1x64x128xf32, #tpu.memory_space<vmem>> -> memref<64x128xf32, #tpu.memory_space<vmem>>
    %dma_start3A_423 = arith.constant 0 : i32
    %dma_start3A_424 = tpu.memref_slice %arg2[%dma_start3A_423, %multiple_of3A_416] : memref<64x100000xf32, #tpu.memory_space<hbm>> -> memref<64x128xf32, #tpu.memory_space<hbm>>
    %dma_start3A_425 = arith.constant 0 : i32
    %dma_start3A_426 = arith.constant 0 : i32
    %dma_start3A_427 = tpu.memref_slice %arg6[%dma_start3A_418, %dma_start3A_425, %dma_start3A_426] : memref<8x64x128xf32, #tpu.memory_space<vmem>> -> memref<1x64x128xf32, #tpu.memory_space<vmem>>
    %dma_start3A_428 = tpu.memref_squeeze %dma_start3A_427 : memref<1x64x128xf32, #tpu.memory_space<vmem>> -> memref<64x128xf32, #tpu.memory_space<vmem>>
    %dma_start3A_429 = arith.constant 0 : i32
    %dma_start3A_430 = tpu.memref_slice %arg2[%dma_start3A_429, %multiple_of3A_416] : memref<64x100000xf32, #tpu.memory_space<hbm>> -> memref<64x128xf32, #tpu.memory_space<hbm>>
    tpu.enqueue_dma source(%dma_start3A_430 : memref<64x128xf32, #tpu.memory_space<hbm>>) target(%dma_start3A_428 : memref<64x128xf32, #tpu.memory_space<vmem>>) target_semaphore(%arg8 : memref<!tpu.dma_semaphore, #tpu.memory_space<semaphore_mem>>)
    %dma_wait3A = arith.constant 0 : i32
    %dma_wait3A_431 = arith.constant 0 : i32
    %dma_wait3A_432 = arith.constant 0 : i32
    %dma_wait3A_433 = tpu.memref_slice %arg6[%dma_wait3A, %dma_wait3A_431, %dma_wait3A_432] : memref<8x64x128xf32, #tpu.memory_space<vmem>> -> memref<1x64x128xf32, #tpu.memory_space<vmem>>
    %dma_wait3A_434 = tpu.memref_squeeze %dma_wait3A_433 : memref<1x64x128xf32, #tpu.memory_space<vmem>> -> memref<64x128xf32, #tpu.memory_space<vmem>>
    %dma_wait3A_435 = arith.constant 0 : i32
    %dma_wait3A_436 = tpu.memref_slice %arg2[%dma_wait3A_435, %multiple_of3A] : memref<64x100000xf32, #tpu.memory_space<hbm>> -> memref<64x128xf32, #tpu.memory_space<hbm>>
    %dma_wait3A_437 = arith.constant 0 : i32
    %dma_wait3A_438 = arith.constant 0 : i32
    %dma_wait3A_439 = tpu.memref_slice %arg6[%dma_wait3A, %dma_wait3A_437, %dma_wait3A_438] : memref<8x64x128xf32, #tpu.memory_space<vmem>> -> memref<1x64x128xf32, #tpu.memory_space<vmem>>
    %dma_wait3A_440 = tpu.memref_squeeze %dma_wait3A_439 : memref<1x64x128xf32, #tpu.memory_space<vmem>> -> memref<64x128xf32, #tpu.memory_space<vmem>>
    %dma_wait3A_441 = arith.constant 0 : i32
    %dma_wait3A_442 = tpu.memref_slice %arg2[%dma_wait3A_441, %multiple_of3A] : memref<64x100000xf32, #tpu.memory_space<hbm>> -> memref<64x128xf32, #tpu.memory_space<hbm>>
    tpu.wait_dma2 semaphore(%arg8 : memref<!tpu.dma_semaphore, #tpu.memory_space<semaphore_mem>>) src(%dma_wait3A_442 : memref<64x128xf32, #tpu.memory_space<hbm>>) dst(%dma_wait3A_440 : memref<64x128xf32, #tpu.memory_space<vmem>>)
    %add3A_443 = arith.constant 0 : i32
    %add3A_444 = vector.broadcast %add3A_443 : i32 to vector<16xi32>
    %add3A_445 = arith.addi %add3A_444, %iota3A : vector<16xi32>
    %broadcast_in_dim3A_446 = arith.constant 0 : i32
    %broadcast_in_dim3A_447 = vector.broadcast %broadcast_in_dim3A_446 : i32 to vector<16xi32>
    %add3A_448 = vector.broadcast %sub3A_33 : i32 to vector<16xi32>
    %add3A_449 = arith.addi %broadcast_in_dim3A_447, %add3A_448 : vector<16xi32>
    %gather3A = arith.constant 0 : i32
    %gather3A_450 = arith.constant 0 : i32
    %gather3A_451 = arith.constant 0 : i32
    %gather3A_452 = tpu.memref_slice %arg6[%gather3A, %gather3A_450, %gather3A_451] : memref<8x64x128xf32, #tpu.memory_space<vmem>> -> memref<1x64x128xf32, #tpu.memory_space<vmem>>
    %gather3A_453 = tpu.memref_squeeze %gather3A_452 : memref<1x64x128xf32, #tpu.memory_space<vmem>> -> memref<64x128xf32, #tpu.memory_space<vmem>>
    %gather3A_454 = tpu.vector_load_idx %gather3A_453[%add3A_445, %add3A_449] : memref<64x128xf32, #tpu.memory_space<vmem>>[vector<16xi32>, vector<16xi32>], vector<16xf32>,
    %swap3A = arith.constant 0 : i32
    %swap3A_455 = arith.index_cast %swap3A : i32 to index
    %swap3A_456 = arith.constant 0 : index
    %swap3A_457 = tpu.vector_load %arg7[%swap3A_455, %swap3A_456] {strides = array<i32>} : memref<8x64xf32, #tpu.memory_space<vmem>>, vector<16xf32>,
    tpu.vector_store %arg7[%swap3A_455, %swap3A_456], %gather3A_454 {strides = array<i32>} : memref<8x64xf32, #tpu.memory_space<vmem>>, vector<16xf32>,
    %add3A_458 = arith.constant 16 : i32
    %add3A_459 = vector.broadcast %add3A_458 : i32 to vector<16xi32>
    %add3A_460 = arith.addi %add3A_459, %iota3A : vector<16xi32>
    %broadcast_in_dim3A_461 = arith.constant 0 : i32
    %broadcast_in_dim3A_462 = vector.broadcast %broadcast_in_dim3A_461 : i32 to vector<16xi32>
    %add3A_463 = vector.broadcast %sub3A_33 : i32 to vector<16xi32>
    %add3A_464 = arith.addi %broadcast_in_dim3A_462, %add3A_463 : vector<16xi32>
    %gather3A_465 = arith.constant 0 : i32
    %gather3A_466 = arith.constant 0 : i32
    %gather3A_467 = arith.constant 0 : i32
    %gather3A_468 = tpu.memref_slice %arg6[%gather3A_465, %gather3A_466, %gather3A_467] : memref<8x64x128xf32, #tpu.memory_space<vmem>> -> memref<1x64x128xf32, #tpu.memory_space<vmem>>
    %gather3A_469 = tpu.memref_squeeze %gather3A_468 : memref<1x64x128xf32, #tpu.memory_space<vmem>> -> memref<64x128xf32, #tpu.memory_space<vmem>>
    %gather3A_470 = tpu.vector_load_idx %gather3A_469[%add3A_460, %add3A_464] : memref<64x128xf32, #tpu.memory_space<vmem>>[vector<16xi32>, vector<16xi32>], vector<16xf32>,
    %swap3A_471 = arith.constant 0 : i32
    %swap3A_472 = arith.index_cast %swap3A_471 : i32 to index
    %swap3A_473 = arith.constant 16 : index
    %swap3A_474 = tpu.vector_load %arg7[%swap3A_472, %swap3A_473] {strides = array<i32>} : memref<8x64xf32, #tpu.memory_space<vmem>>, vector<16xf32>,
    tpu.vector_store %arg7[%swap3A_472, %swap3A_473], %gather3A_470 {strides = array<i32>} : memref<8x64xf32, #tpu.memory_space<vmem>>, vector<16xf32>,
    %add3A_475 = arith.constant 32 : i32
    %add3A_476 = vector.broadcast %add3A_475 : i32 to vector<16xi32>
    %add3A_477 = arith.addi %add3A_476, %iota3A : vector<16xi32>
    %broadcast_in_dim3A_478 = arith.constant 0 : i32
    %broadcast_in_dim3A_479 = vector.broadcast %broadcast_in_dim3A_478 : i32 to vector<16xi32>
    %add3A_480 = vector.broadcast %sub3A_33 : i32 to vector<16xi32>
    %add3A_481 = arith.addi %broadcast_in_dim3A_479, %add3A_480 : vector<16xi32>
    %gather3A_482 = arith.constant 0 : i32
    %gather3A_483 = arith.constant 0 : i32
    %gather3A_484 = arith.constant 0 : i32
    %gather3A_485 = tpu.memref_slice %arg6[%gather3A_482, %gather3A_483, %gather3A_484] : memref<8x64x128xf32, #tpu.memory_space<vmem>> -> memref<1x64x128xf32, #tpu.memory_space<vmem>>
    %gather3A_486 = tpu.memref_squeeze %gather3A_485 : memref<1x64x128xf32, #tpu.memory_space<vmem>> -> memref<64x128xf32, #tpu.memory_space<vmem>>
    %gather3A_487 = tpu.vector_load_idx %gather3A_486[%add3A_477, %add3A_481] : memref<64x128xf32, #tpu.memory_space<vmem>>[vector<16xi32>, vector<16xi32>], vector<16xf32>,
    %swap3A_488 = arith.constant 0 : i32
    %swap3A_489 = arith.index_cast %swap3A_488 : i32 to index
    %swap3A_490 = arith.constant 32 : index
    %swap3A_491 = tpu.vector_load %arg7[%swap3A_489, %swap3A_490] {strides = array<i32>} : memref<8x64xf32, #tpu.memory_space<vmem>>, vector<16xf32>,
    tpu.vector_store %arg7[%swap3A_489, %swap3A_490], %gather3A_487 {strides = array<i32>} : memref<8x64xf32, #tpu.memory_space<vmem>>, vector<16xf32>,
    %add3A_492 = arith.constant 48 : i32
    %add3A_493 = vector.broadcast %add3A_492 : i32 to vector<16xi32>
    %add3A_494 = arith.addi %add3A_493, %iota3A : vector<16xi32>
    %broadcast_in_dim3A_495 = arith.constant 0 : i32
    %broadcast_in_dim3A_496 = vector.broadcast %broadcast_in_dim3A_495 : i32 to vector<16xi32>
    %add3A_497 = vector.broadcast %sub3A_33 : i32 to vector<16xi32>
    %add3A_498 = arith.addi %broadcast_in_dim3A_496, %add3A_497 : vector<16xi32>
    %gather3A_499 = arith.constant 0 : i32
    %gather3A_500 = arith.constant 0 : i32
    %gather3A_501 = arith.constant 0 : i32
    %gather3A_502 = tpu.memref_slice %arg6[%gather3A_499, %gather3A_500, %gather3A_501] : memref<8x64x128xf32, #tpu.memory_space<vmem>> -> memref<1x64x128xf32, #tpu.memory_space<vmem>>
    %gather3A_503 = tpu.memref_squeeze %gather3A_502 : memref<1x64x128xf32, #tpu.memory_space<vmem>> -> memref<64x128xf32, #tpu.memory_space<vmem>>
    %gather3A_504 = tpu.vector_load_idx %gather3A_503[%add3A_494, %add3A_498] : memref<64x128xf32, #tpu.memory_space<vmem>>[vector<16xi32>, vector<16xi32>], vector<16xf32>,
    %swap3A_505 = arith.constant 0 : i32
    %swap3A_506 = arith.index_cast %swap3A_505 : i32 to index
    %swap3A_507 = arith.constant 48 : index
    %swap3A_508 = tpu.vector_load %arg7[%swap3A_506, %swap3A_507] {strides = array<i32>} : memref<8x64xf32, #tpu.memory_space<vmem>>, vector<16xf32>,
    tpu.vector_store %arg7[%swap3A_506, %swap3A_507], %gather3A_504 {strides = array<i32>} : memref<8x64xf32, #tpu.memory_space<vmem>>, vector<16xf32>,
    %dma_wait3A_509 = arith.constant 1 : i32
    %dma_wait3A_510 = arith.constant 0 : i32
    %dma_wait3A_511 = arith.constant 0 : i32
    %dma_wait3A_512 = tpu.memref_slice %arg6[%dma_wait3A_509, %dma_wait3A_510, %dma_wait3A_511] : memref<8x64x128xf32, #tpu.memory_space<vmem>> -> memref<1x64x128xf32, #tpu.memory_space<vmem>>
    %dma_wait3A_513 = tpu.memref_squeeze %dma_wait3A_512 : memref<1x64x128xf32, #tpu.memory_space<vmem>> -> memref<64x128xf32, #tpu.memory_space<vmem>>
    %dma_wait3A_514 = arith.constant 0 : i32
    %dma_wait3A_515 = tpu.memref_slice %arg2[%dma_wait3A_514, %multiple_of3A_86] : memref<64x100000xf32, #tpu.memory_space<hbm>> -> memref<64x128xf32, #tpu.memory_space<hbm>>
    %dma_wait3A_516 = arith.constant 0 : i32
    %dma_wait3A_517 = arith.constant 0 : i32
    %dma_wait3A_518 = tpu.memref_slice %arg6[%dma_wait3A_509, %dma_wait3A_516, %dma_wait3A_517] : memref<8x64x128xf32, #tpu.memory_space<vmem>> -> memref<1x64x128xf32, #tpu.memory_space<vmem>>
    %dma_wait3A_519 = tpu.memref_squeeze %dma_wait3A_518 : memref<1x64x128xf32, #tpu.memory_space<vmem>> -> memref<64x128xf32, #tpu.memory_space<vmem>>
    %dma_wait3A_520 = arith.constant 0 : i32
    %dma_wait3A_521 = tpu.memref_slice %arg2[%dma_wait3A_520, %multiple_of3A_86] : memref<64x100000xf32, #tpu.memory_space<hbm>> -> memref<64x128xf32, #tpu.memory_space<hbm>>
    tpu.wait_dma2 semaphore(%arg8 : memref<!tpu.dma_semaphore, #tpu.memory_space<semaphore_mem>>) src(%dma_wait3A_521 : memref<64x128xf32, #tpu.memory_space<hbm>>) dst(%dma_wait3A_519 : memref<64x128xf32, #tpu.memory_space<vmem>>)
    %add3A_522 = arith.constant 0 : i32
    %add3A_523 = vector.broadcast %add3A_522 : i32 to vector<16xi32>
    %add3A_524 = arith.addi %add3A_523, %iota3A : vector<16xi32>
    %broadcast_in_dim3A_525 = arith.constant 0 : i32
    %broadcast_in_dim3A_526 = vector.broadcast %broadcast_in_dim3A_525 : i32 to vector<16xi32>
    %add3A_527 = vector.broadcast %sub3A_87 : i32 to vector<16xi32>
    %add3A_528 = arith.addi %broadcast_in_dim3A_526, %add3A_527 : vector<16xi32>
    %gather3A_529 = arith.constant 1 : i32
    %gather3A_530 = arith.constant 0 : i32
    %gather3A_531 = arith.constant 0 : i32
    %gather3A_532 = tpu.memref_slice %arg6[%gather3A_529, %gather3A_530, %gather3A_531] : memref<8x64x128xf32, #tpu.memory_space<vmem>> -> memref<1x64x128xf32, #tpu.memory_space<vmem>>
    %gather3A_533 = tpu.memref_squeeze %gather3A_532 : memref<1x64x128xf32, #tpu.memory_space<vmem>> -> memref<64x128xf32, #tpu.memory_space<vmem>>
    %gather3A_534 = tpu.vector_load_idx %gather3A_533[%add3A_524, %add3A_528] : memref<64x128xf32, #tpu.memory_space<vmem>>[vector<16xi32>, vector<16xi32>], vector<16xf32>,
    %swap3A_535 = arith.constant 1 : i32
    %swap3A_536 = arith.index_cast %swap3A_535 : i32 to index
    %swap3A_537 = arith.constant 0 : index
    %swap3A_538 = tpu.vector_load %arg7[%swap3A_536, %swap3A_537] {strides = array<i32>} : memref<8x64xf32, #tpu.memory_space<vmem>>, vector<16xf32>,
    tpu.vector_store %arg7[%swap3A_536, %swap3A_537], %gather3A_534 {strides = array<i32>} : memref<8x64xf32, #tpu.memory_space<vmem>>, vector<16xf32>,
    %add3A_539 = arith.constant 16 : i32
    %add3A_540 = vector.broadcast %add3A_539 : i32 to vector<16xi32>
    %add3A_541 = arith.addi %add3A_540, %iota3A : vector<16xi32>
    %broadcast_in_dim3A_542 = arith.constant 0 : i32
    %broadcast_in_dim3A_543 = vector.broadcast %broadcast_in_dim3A_542 : i32 to vector<16xi32>
    %add3A_544 = vector.broadcast %sub3A_87 : i32 to vector<16xi32>
    %add3A_545 = arith.addi %broadcast_in_dim3A_543, %add3A_544 : vector<16xi32>
    %gather3A_546 = arith.constant 1 : i32
    %gather3A_547 = arith.constant 0 : i32
    %gather3A_548 = arith.constant 0 : i32
    %gather3A_549 = tpu.memref_slice %arg6[%gather3A_546, %gather3A_547, %gather3A_548] : memref<8x64x128xf32, #tpu.memory_space<vmem>> -> memref<1x64x128xf32, #tpu.memory_space<vmem>>
    %gather3A_550 = tpu.memref_squeeze %gather3A_549 : memref<1x64x128xf32, #tpu.memory_space<vmem>> -> memref<64x128xf32, #tpu.memory_space<vmem>>
    %gather3A_551 = tpu.vector_load_idx %gather3A_550[%add3A_541, %add3A_545] : memref<64x128xf32, #tpu.memory_space<vmem>>[vector<16xi32>, vector<16xi32>], vector<16xf32>,
    %swap3A_552 = arith.constant 1 : i32
    %swap3A_553 = arith.index_cast %swap3A_552 : i32 to index
    %swap3A_554 = arith.constant 16 : index
    %swap3A_555 = tpu.vector_load %arg7[%swap3A_553, %swap3A_554] {strides = array<i32>} : memref<8x64xf32, #tpu.memory_space<vmem>>, vector<16xf32>,
    tpu.vector_store %arg7[%swap3A_553, %swap3A_554], %gather3A_551 {strides = array<i32>} : memref<8x64xf32, #tpu.memory_space<vmem>>, vector<16xf32>,
    %add3A_556 = arith.constant 32 : i32
    %add3A_557 = vector.broadcast %add3A_556 : i32 to vector<16xi32>
    %add3A_558 = arith.addi %add3A_557, %iota3A : vector<16xi32>
    %broadcast_in_dim3A_559 = arith.constant 0 : i32
    %broadcast_in_dim3A_560 = vector.broadcast %broadcast_in_dim3A_559 : i32 to vector<16xi32>
    %add3A_561 = vector.broadcast %sub3A_87 : i32 to vector<16xi32>
    %add3A_562 = arith.addi %broadcast_in_dim3A_560, %add3A_561 : vector<16xi32>
    %gather3A_563 = arith.constant 1 : i32
    %gather3A_564 = arith.constant 0 : i32
    %gather3A_565 = arith.constant 0 : i32
    %gather3A_566 = tpu.memref_slice %arg6[%gather3A_563, %gather3A_564, %gather3A_565] : memref<8x64x128xf32, #tpu.memory_space<vmem>> -> memref<1x64x128xf32, #tpu.memory_space<vmem>>
    %gather3A_567 = tpu.memref_squeeze %gather3A_566 : memref<1x64x128xf32, #tpu.memory_space<vmem>> -> memref<64x128xf32, #tpu.memory_space<vmem>>
    %gather3A_568 = tpu.vector_load_idx %gather3A_567[%add3A_558, %add3A_562] : memref<64x128xf32, #tpu.memory_space<vmem>>[vector<16xi32>, vector<16xi32>], vector<16xf32>,
    %swap3A_569 = arith.constant 1 : i32
    %swap3A_570 = arith.index_cast %swap3A_569 : i32 to index
    %swap3A_571 = arith.constant 32 : index
    %swap3A_572 = tpu.vector_load %arg7[%swap3A_570, %swap3A_571] {strides = array<i32>} : memref<8x64xf32, #tpu.memory_space<vmem>>, vector<16xf32>,
    tpu.vector_store %arg7[%swap3A_570, %swap3A_571], %gather3A_568 {strides = array<i32>} : memref<8x64xf32, #tpu.memory_space<vmem>>, vector<16xf32>,
    %add3A_573 = arith.constant 48 : i32
    %add3A_574 = vector.broadcast %add3A_573 : i32 to vector<16xi32>
    %add3A_575 = arith.addi %add3A_574, %iota3A : vector<16xi32>
    %broadcast_in_dim3A_576 = arith.constant 0 : i32
    %broadcast_in_dim3A_577 = vector.broadcast %broadcast_in_dim3A_576 : i32 to vector<16xi32>
    %add3A_578 = vector.broadcast %sub3A_87 : i32 to vector<16xi32>
    %add3A_579 = arith.addi %broadcast_in_dim3A_577, %add3A_578 : vector<16xi32>
    %gather3A_580 = arith.constant 1 : i32
    %gather3A_581 = arith.constant 0 : i32
    %gather3A_582 = arith.constant 0 : i32
    %gather3A_583 = tpu.memref_slice %arg6[%gather3A_580, %gather3A_581, %gather3A_582] : memref<8x64x128xf32, #tpu.memory_space<vmem>> -> memref<1x64x128xf32, #tpu.memory_space<vmem>>
    %gather3A_584 = tpu.memref_squeeze %gather3A_583 : memref<1x64x128xf32, #tpu.memory_space<vmem>> -> memref<64x128xf32, #tpu.memory_space<vmem>>
    %gather3A_585 = tpu.vector_load_idx %gather3A_584[%add3A_575, %add3A_579] : memref<64x128xf32, #tpu.memory_space<vmem>>[vector<16xi32>, vector<16xi32>], vector<16xf32>,
    %swap3A_586 = arith.constant 1 : i32
    %swap3A_587 = arith.index_cast %swap3A_586 : i32 to index
    %swap3A_588 = arith.constant 48 : index
    %swap3A_589 = tpu.vector_load %arg7[%swap3A_587, %swap3A_588] {strides = array<i32>} : memref<8x64xf32, #tpu.memory_space<vmem>>, vector<16xf32>,
    tpu.vector_store %arg7[%swap3A_587, %swap3A_588], %gather3A_585 {strides = array<i32>} : memref<8x64xf32, #tpu.memory_space<vmem>>, vector<16xf32>,
    %dma_wait3A_590 = arith.constant 2 : i32
    %dma_wait3A_591 = arith.constant 0 : i32
    %dma_wait3A_592 = arith.constant 0 : i32
    %dma_wait3A_593 = tpu.memref_slice %arg6[%dma_wait3A_590, %dma_wait3A_591, %dma_wait3A_592] : memref<8x64x128xf32, #tpu.memory_space<vmem>> -> memref<1x64x128xf32, #tpu.memory_space<vmem>>
    %dma_wait3A_594 = tpu.memref_squeeze %dma_wait3A_593 : memref<1x64x128xf32, #tpu.memory_space<vmem>> -> memref<64x128xf32, #tpu.memory_space<vmem>>
    %dma_wait3A_595 = arith.constant 0 : i32
    %dma_wait3A_596 = tpu.memref_slice %arg2[%dma_wait3A_595, %multiple_of3A_141] : memref<64x100000xf32, #tpu.memory_space<hbm>> -> memref<64x128xf32, #tpu.memory_space<hbm>>
    %dma_wait3A_597 = arith.constant 0 : i32
    %dma_wait3A_598 = arith.constant 0 : i32
    %dma_wait3A_599 = tpu.memref_slice %arg6[%dma_wait3A_590, %dma_wait3A_597, %dma_wait3A_598] : memref<8x64x128xf32, #tpu.memory_space<vmem>> -> memref<1x64x128xf32, #tpu.memory_space<vmem>>
    %dma_wait3A_600 = tpu.memref_squeeze %dma_wait3A_599 : memref<1x64x128xf32, #tpu.memory_space<vmem>> -> memref<64x128xf32, #tpu.memory_space<vmem>>
    %dma_wait3A_601 = arith.constant 0 : i32
    %dma_wait3A_602 = tpu.memref_slice %arg2[%dma_wait3A_601, %multiple_of3A_141] : memref<64x100000xf32, #tpu.memory_space<hbm>> -> memref<64x128xf32, #tpu.memory_space<hbm>>
    tpu.wait_dma2 semaphore(%arg8 : memref<!tpu.dma_semaphore, #tpu.memory_space<semaphore_mem>>) src(%dma_wait3A_602 : memref<64x128xf32, #tpu.memory_space<hbm>>) dst(%dma_wait3A_600 : memref<64x128xf32, #tpu.memory_space<vmem>>)
    %add3A_603 = arith.constant 0 : i32
    %add3A_604 = vector.broadcast %add3A_603 : i32 to vector<16xi32>
    %add3A_605 = arith.addi %add3A_604, %iota3A : vector<16xi32>
    %broadcast_in_dim3A_606 = arith.constant 0 : i32
    %broadcast_in_dim3A_607 = vector.broadcast %broadcast_in_dim3A_606 : i32 to vector<16xi32>
    %add3A_608 = vector.broadcast %sub3A_142 : i32 to vector<16xi32>
    %add3A_609 = arith.addi %broadcast_in_dim3A_607, %add3A_608 : vector<16xi32>
    %gather3A_610 = arith.constant 2 : i32
    %gather3A_611 = arith.constant 0 : i32
    %gather3A_612 = arith.constant 0 : i32
    %gather3A_613 = tpu.memref_slice %arg6[%gather3A_610, %gather3A_611, %gather3A_612] : memref<8x64x128xf32, #tpu.memory_space<vmem>> -> memref<1x64x128xf32, #tpu.memory_space<vmem>>
    %gather3A_614 = tpu.memref_squeeze %gather3A_613 : memref<1x64x128xf32, #tpu.memory_space<vmem>> -> memref<64x128xf32, #tpu.memory_space<vmem>>
    %gather3A_615 = tpu.vector_load_idx %gather3A_614[%add3A_605, %add3A_609] : memref<64x128xf32, #tpu.memory_space<vmem>>[vector<16xi32>, vector<16xi32>], vector<16xf32>,
    %swap3A_616 = arith.constant 2 : i32
    %swap3A_617 = arith.index_cast %swap3A_616 : i32 to index
    %swap3A_618 = arith.constant 0 : index
    %swap3A_619 = tpu.vector_load %arg7[%swap3A_617, %swap3A_618] {strides = array<i32>} : memref<8x64xf32, #tpu.memory_space<vmem>>, vector<16xf32>,
    tpu.vector_store %arg7[%swap3A_617, %swap3A_618], %gather3A_615 {strides = array<i32>} : memref<8x64xf32, #tpu.memory_space<vmem>>, vector<16xf32>,
    %add3A_620 = arith.constant 16 : i32
    %add3A_621 = vector.broadcast %add3A_620 : i32 to vector<16xi32>
    %add3A_622 = arith.addi %add3A_621, %iota3A : vector<16xi32>
    %broadcast_in_dim3A_623 = arith.constant 0 : i32
    %broadcast_in_dim3A_624 = vector.broadcast %broadcast_in_dim3A_623 : i32 to vector<16xi32>
    %add3A_625 = vector.broadcast %sub3A_142 : i32 to vector<16xi32>
    %add3A_626 = arith.addi %broadcast_in_dim3A_624, %add3A_625 : vector<16xi32>
    %gather3A_627 = arith.constant 2 : i32
    %gather3A_628 = arith.constant 0 : i32
    %gather3A_629 = arith.constant 0 : i32
    %gather3A_630 = tpu.memref_slice %arg6[%gather3A_627, %gather3A_628, %gather3A_629] : memref<8x64x128xf32, #tpu.memory_space<vmem>> -> memref<1x64x128xf32, #tpu.memory_space<vmem>>
    %gather3A_631 = tpu.memref_squeeze %gather3A_630 : memref<1x64x128xf32, #tpu.memory_space<vmem>> -> memref<64x128xf32, #tpu.memory_space<vmem>>
    %gather3A_632 = tpu.vector_load_idx %gather3A_631[%add3A_622, %add3A_626] : memref<64x128xf32, #tpu.memory_space<vmem>>[vector<16xi32>, vector<16xi32>], vector<16xf32>,
    %swap3A_633 = arith.constant 2 : i32
    %swap3A_634 = arith.index_cast %swap3A_633 : i32 to index
    %swap3A_635 = arith.constant 16 : index
    %swap3A_636 = tpu.vector_load %arg7[%swap3A_634, %swap3A_635] {strides = array<i32>} : memref<8x64xf32, #tpu.memory_space<vmem>>, vector<16xf32>,
    tpu.vector_store %arg7[%swap3A_634, %swap3A_635], %gather3A_632 {strides = array<i32>} : memref<8x64xf32, #tpu.memory_space<vmem>>, vector<16xf32>,
    %add3A_637 = arith.constant 32 : i32
    %add3A_638 = vector.broadcast %add3A_637 : i32 to vector<16xi32>
    %add3A_639 = arith.addi %add3A_638, %iota3A : vector<16xi32>
    %broadcast_in_dim3A_640 = arith.constant 0 : i32
    %broadcast_in_dim3A_641 = vector.broadcast %broadcast_in_dim3A_640 : i32 to vector<16xi32>
    %add3A_642 = vector.broadcast %sub3A_142 : i32 to vector<16xi32>
    %add3A_643 = arith.addi %broadcast_in_dim3A_641, %add3A_642 : vector<16xi32>
    %gather3A_644 = arith.constant 2 : i32
    %gather3A_645 = arith.constant 0 : i32
    %gather3A_646 = arith.constant 0 : i32
    %gather3A_647 = tpu.memref_slice %arg6[%gather3A_644, %gather3A_645, %gather3A_646] : memref<8x64x128xf32, #tpu.memory_space<vmem>> -> memref<1x64x128xf32, #tpu.memory_space<vmem>>
    %gather3A_648 = tpu.memref_squeeze %gather3A_647 : memref<1x64x128xf32, #tpu.memory_space<vmem>> -> memref<64x128xf32, #tpu.memory_space<vmem>>
    %gather3A_649 = tpu.vector_load_idx %gather3A_648[%add3A_639, %add3A_643] : memref<64x128xf32, #tpu.memory_space<vmem>>[vector<16xi32>, vector<16xi32>], vector<16xf32>,
    %swap3A_650 = arith.constant 2 : i32
    %swap3A_651 = arith.index_cast %swap3A_650 : i32 to index
    %swap3A_652 = arith.constant 32 : index
    %swap3A_653 = tpu.vector_load %arg7[%swap3A_651, %swap3A_652] {strides = array<i32>} : memref<8x64xf32, #tpu.memory_space<vmem>>, vector<16xf32>,
    tpu.vector_store %arg7[%swap3A_651, %swap3A_652], %gather3A_649 {strides = array<i32>} : memref<8x64xf32, #tpu.memory_space<vmem>>, vector<16xf32>,
    %add3A_654 = arith.constant 48 : i32
    %add3A_655 = vector.broadcast %add3A_654 : i32 to vector<16xi32>
    %add3A_656 = arith.addi %add3A_655, %iota3A : vector<16xi32>
    %broadcast_in_dim3A_657 = arith.constant 0 : i32
    %broadcast_in_dim3A_658 = vector.broadcast %broadcast_in_dim3A_657 : i32 to vector<16xi32>
    %add3A_659 = vector.broadcast %sub3A_142 : i32 to vector<16xi32>
    %add3A_660 = arith.addi %broadcast_in_dim3A_658, %add3A_659 : vector<16xi32>
    %gather3A_661 = arith.constant 2 : i32
    %gather3A_662 = arith.constant 0 : i32
    %gather3A_663 = arith.constant 0 : i32
    %gather3A_664 = tpu.memref_slice %arg6[%gather3A_661, %gather3A_662, %gather3A_663] : memref<8x64x128xf32, #tpu.memory_space<vmem>> -> memref<1x64x128xf32, #tpu.memory_space<vmem>>
    %gather3A_665 = tpu.memref_squeeze %gather3A_664 : memref<1x64x128xf32, #tpu.memory_space<vmem>> -> memref<64x128xf32, #tpu.memory_space<vmem>>
    %gather3A_666 = tpu.vector_load_idx %gather3A_665[%add3A_656, %add3A_660] : memref<64x128xf32, #tpu.memory_space<vmem>>[vector<16xi32>, vector<16xi32>], vector<16xf32>,
    %swap3A_667 = arith.constant 2 : i32
    %swap3A_668 = arith.index_cast %swap3A_667 : i32 to index
    %swap3A_669 = arith.constant 48 : index
    %swap3A_670 = tpu.vector_load %arg7[%swap3A_668, %swap3A_669] {strides = array<i32>} : memref<8x64xf32, #tpu.memory_space<vmem>>, vector<16xf32>,
    tpu.vector_store %arg7[%swap3A_668, %swap3A_669], %gather3A_666 {strides = array<i32>} : memref<8x64xf32, #tpu.memory_space<vmem>>, vector<16xf32>,
    %dma_wait3A_671 = arith.constant 3 : i32
    %dma_wait3A_672 = arith.constant 0 : i32
    %dma_wait3A_673 = arith.constant 0 : i32
    %dma_wait3A_674 = tpu.memref_slice %arg6[%dma_wait3A_671, %dma_wait3A_672, %dma_wait3A_673] : memref<8x64x128xf32, #tpu.memory_space<vmem>> -> memref<1x64x128xf32, #tpu.memory_space<vmem>>
    %dma_wait3A_675 = tpu.memref_squeeze %dma_wait3A_674 : memref<1x64x128xf32, #tpu.memory_space<vmem>> -> memref<64x128xf32, #tpu.memory_space<vmem>>
    %dma_wait3A_676 = arith.constant 0 : i32
    %dma_wait3A_677 = tpu.memref_slice %arg2[%dma_wait3A_676, %multiple_of3A_196] : memref<64x100000xf32, #tpu.memory_space<hbm>> -> memref<64x128xf32, #tpu.memory_space<hbm>>
    %dma_wait3A_678 = arith.constant 0 : i32
    %dma_wait3A_679 = arith.constant 0 : i32
    %dma_wait3A_680 = tpu.memref_slice %arg6[%dma_wait3A_671, %dma_wait3A_678, %dma_wait3A_679] : memref<8x64x128xf32, #tpu.memory_space<vmem>> -> memref<1x64x128xf32, #tpu.memory_space<vmem>>
    %dma_wait3A_681 = tpu.memref_squeeze %dma_wait3A_680 : memref<1x64x128xf32, #tpu.memory_space<vmem>> -> memref<64x128xf32, #tpu.memory_space<vmem>>
    %dma_wait3A_682 = arith.constant 0 : i32
    %dma_wait3A_683 = tpu.memref_slice %arg2[%dma_wait3A_682, %multiple_of3A_196] : memref<64x100000xf32, #tpu.memory_space<hbm>> -> memref<64x128xf32, #tpu.memory_space<hbm>>
    tpu.wait_dma2 semaphore(%arg8 : memref<!tpu.dma_semaphore, #tpu.memory_space<semaphore_mem>>) src(%dma_wait3A_683 : memref<64x128xf32, #tpu.memory_space<hbm>>) dst(%dma_wait3A_681 : memref<64x128xf32, #tpu.memory_space<vmem>>)
    %add3A_684 = arith.constant 0 : i32
    %add3A_685 = vector.broadcast %add3A_684 : i32 to vector<16xi32>
    %add3A_686 = arith.addi %add3A_685, %iota3A : vector<16xi32>
    %broadcast_in_dim3A_687 = arith.constant 0 : i32
    %broadcast_in_dim3A_688 = vector.broadcast %broadcast_in_dim3A_687 : i32 to vector<16xi32>
    %add3A_689 = vector.broadcast %sub3A_197 : i32 to vector<16xi32>
    %add3A_690 = arith.addi %broadcast_in_dim3A_688, %add3A_689 : vector<16xi32>
    %gather3A_691 = arith.constant 3 : i32
    %gather3A_692 = arith.constant 0 : i32
    %gather3A_693 = arith.constant 0 : i32
    %gather3A_694 = tpu.memref_slice %arg6[%gather3A_691, %gather3A_692, %gather3A_693] : memref<8x64x128xf32, #tpu.memory_space<vmem>> -> memref<1x64x128xf32, #tpu.memory_space<vmem>>
    %gather3A_695 = tpu.memref_squeeze %gather3A_694 : memref<1x64x128xf32, #tpu.memory_space<vmem>> -> memref<64x128xf32, #tpu.memory_space<vmem>>
    %gather3A_696 = tpu.vector_load_idx %gather3A_695[%add3A_686, %add3A_690] : memref<64x128xf32, #tpu.memory_space<vmem>>[vector<16xi32>, vector<16xi32>], vector<16xf32>,
    %swap3A_697 = arith.constant 3 : i32
    %swap3A_698 = arith.index_cast %swap3A_697 : i32 to index
    %swap3A_699 = arith.constant 0 : index
    %swap3A_700 = tpu.vector_load %arg7[%swap3A_698, %swap3A_699] {strides = array<i32>} : memref<8x64xf32, #tpu.memory_space<vmem>>, vector<16xf32>,
    tpu.vector_store %arg7[%swap3A_698, %swap3A_699], %gather3A_696 {strides = array<i32>} : memref<8x64xf32, #tpu.memory_space<vmem>>, vector<16xf32>,
    %add3A_701 = arith.constant 16 : i32
    %add3A_702 = vector.broadcast %add3A_701 : i32 to vector<16xi32>
    %add3A_703 = arith.addi %add3A_702, %iota3A : vector<16xi32>
    %broadcast_in_dim3A_704 = arith.constant 0 : i32
    %broadcast_in_dim3A_705 = vector.broadcast %broadcast_in_dim3A_704 : i32 to vector<16xi32>
    %add3A_706 = vector.broadcast %sub3A_197 : i32 to vector<16xi32>
    %add3A_707 = arith.addi %broadcast_in_dim3A_705, %add3A_706 : vector<16xi32>
    %gather3A_708 = arith.constant 3 : i32
    %gather3A_709 = arith.constant 0 : i32
    %gather3A_710 = arith.constant 0 : i32
    %gather3A_711 = tpu.memref_slice %arg6[%gather3A_708, %gather3A_709, %gather3A_710] : memref<8x64x128xf32, #tpu.memory_space<vmem>> -> memref<1x64x128xf32, #tpu.memory_space<vmem>>
    %gather3A_712 = tpu.memref_squeeze %gather3A_711 : memref<1x64x128xf32, #tpu.memory_space<vmem>> -> memref<64x128xf32, #tpu.memory_space<vmem>>
    %gather3A_713 = tpu.vector_load_idx %gather3A_712[%add3A_703, %add3A_707] : memref<64x128xf32, #tpu.memory_space<vmem>>[vector<16xi32>, vector<16xi32>], vector<16xf32>,
    %swap3A_714 = arith.constant 3 : i32
    %swap3A_715 = arith.index_cast %swap3A_714 : i32 to index
    %swap3A_716 = arith.constant 16 : index
    %swap3A_717 = tpu.vector_load %arg7[%swap3A_715, %swap3A_716] {strides = array<i32>} : memref<8x64xf32, #tpu.memory_space<vmem>>, vector<16xf32>,
    tpu.vector_store %arg7[%swap3A_715, %swap3A_716], %gather3A_713 {strides = array<i32>} : memref<8x64xf32, #tpu.memory_space<vmem>>, vector<16xf32>,
    %add3A_718 = arith.constant 32 : i32
    %add3A_719 = vector.broadcast %add3A_718 : i32 to vector<16xi32>
    %add3A_720 = arith.addi %add3A_719, %iota3A : vector<16xi32>
    %broadcast_in_dim3A_721 = arith.constant 0 : i32
    %broadcast_in_dim3A_722 = vector.broadcast %broadcast_in_dim3A_721 : i32 to vector<16xi32>
    %add3A_723 = vector.broadcast %sub3A_197 : i32 to vector<16xi32>
    %add3A_724 = arith.addi %broadcast_in_dim3A_722, %add3A_723 : vector<16xi32>
    %gather3A_725 = arith.constant 3 : i32
    %gather3A_726 = arith.constant 0 : i32
    %gather3A_727 = arith.constant 0 : i32
    %gather3A_728 = tpu.memref_slice %arg6[%gather3A_725, %gather3A_726, %gather3A_727] : memref<8x64x128xf32, #tpu.memory_space<vmem>> -> memref<1x64x128xf32, #tpu.memory_space<vmem>>
    %gather3A_729 = tpu.memref_squeeze %gather3A_728 : memref<1x64x128xf32, #tpu.memory_space<vmem>> -> memref<64x128xf32, #tpu.memory_space<vmem>>
    %gather3A_730 = tpu.vector_load_idx %gather3A_729[%add3A_720, %add3A_724] : memref<64x128xf32, #tpu.memory_space<vmem>>[vector<16xi32>, vector<16xi32>], vector<16xf32>,
    %swap3A_731 = arith.constant 3 : i32
    %swap3A_732 = arith.index_cast %swap3A_731 : i32 to index
    %swap3A_733 = arith.constant 32 : index
    %swap3A_734 = tpu.vector_load %arg7[%swap3A_732, %swap3A_733] {strides = array<i32>} : memref<8x64xf32, #tpu.memory_space<vmem>>, vector<16xf32>,
    tpu.vector_store %arg7[%swap3A_732, %swap3A_733], %gather3A_730 {strides = array<i32>} : memref<8x64xf32, #tpu.memory_space<vmem>>, vector<16xf32>,
    %add3A_735 = arith.constant 48 : i32
    %add3A_736 = vector.broadcast %add3A_735 : i32 to vector<16xi32>
    %add3A_737 = arith.addi %add3A_736, %iota3A : vector<16xi32>
    %broadcast_in_dim3A_738 = arith.constant 0 : i32
    %broadcast_in_dim3A_739 = vector.broadcast %broadcast_in_dim3A_738 : i32 to vector<16xi32>
    %add3A_740 = vector.broadcast %sub3A_197 : i32 to vector<16xi32>
    %add3A_741 = arith.addi %broadcast_in_dim3A_739, %add3A_740 : vector<16xi32>
    %gather3A_742 = arith.constant 3 : i32
    %gather3A_743 = arith.constant 0 : i32
    %gather3A_744 = arith.constant 0 : i32
    %gather3A_745 = tpu.memref_slice %arg6[%gather3A_742, %gather3A_743, %gather3A_744] : memref<8x64x128xf32, #tpu.memory_space<vmem>> -> memref<1x64x128xf32, #tpu.memory_space<vmem>>
    %gather3A_746 = tpu.memref_squeeze %gather3A_745 : memref<1x64x128xf32, #tpu.memory_space<vmem>> -> memref<64x128xf32, #tpu.memory_space<vmem>>
    %gather3A_747 = tpu.vector_load_idx %gather3A_746[%add3A_737, %add3A_741] : memref<64x128xf32, #tpu.memory_space<vmem>>[vector<16xi32>, vector<16xi32>], vector<16xf32>,
    %swap3A_748 = arith.constant 3 : i32
    %swap3A_749 = arith.index_cast %swap3A_748 : i32 to index
    %swap3A_750 = arith.constant 48 : index
    %swap3A_751 = tpu.vector_load %arg7[%swap3A_749, %swap3A_750] {strides = array<i32>} : memref<8x64xf32, #tpu.memory_space<vmem>>, vector<16xf32>,
    tpu.vector_store %arg7[%swap3A_749, %swap3A_750], %gather3A_747 {strides = array<i32>} : memref<8x64xf32, #tpu.memory_space<vmem>>, vector<16xf32>,
    %dma_wait3A_752 = arith.constant 4 : i32
    %dma_wait3A_753 = arith.constant 0 : i32
    %dma_wait3A_754 = arith.constant 0 : i32
    %dma_wait3A_755 = tpu.memref_slice %arg6[%dma_wait3A_752, %dma_wait3A_753, %dma_wait3A_754] : memref<8x64x128xf32, #tpu.memory_space<vmem>> -> memref<1x64x128xf32, #tpu.memory_space<vmem>>
    %dma_wait3A_756 = tpu.memref_squeeze %dma_wait3A_755 : memref<1x64x128xf32, #tpu.memory_space<vmem>> -> memref<64x128xf32, #tpu.memory_space<vmem>>
    %dma_wait3A_757 = arith.constant 0 : i32
    %dma_wait3A_758 = tpu.memref_slice %arg2[%dma_wait3A_757, %multiple_of3A_251] : memref<64x100000xf32, #tpu.memory_space<hbm>> -> memref<64x128xf32, #tpu.memory_space<hbm>>
    %dma_wait3A_759 = arith.constant 0 : i32
    %dma_wait3A_760 = arith.constant 0 : i32
    %dma_wait3A_761 = tpu.memref_slice %arg6[%dma_wait3A_752, %dma_wait3A_759, %dma_wait3A_760] : memref<8x64x128xf32, #tpu.memory_space<vmem>> -> memref<1x64x128xf32, #tpu.memory_space<vmem>>
    %dma_wait3A_762 = tpu.memref_squeeze %dma_wait3A_761 : memref<1x64x128xf32, #tpu.memory_space<vmem>> -> memref<64x128xf32, #tpu.memory_space<vmem>>
    %dma_wait3A_763 = arith.constant 0 : i32
    %dma_wait3A_764 = tpu.memref_slice %arg2[%dma_wait3A_763, %multiple_of3A_251] : memref<64x100000xf32, #tpu.memory_space<hbm>> -> memref<64x128xf32, #tpu.memory_space<hbm>>
    tpu.wait_dma2 semaphore(%arg8 : memref<!tpu.dma_semaphore, #tpu.memory_space<semaphore_mem>>) src(%dma_wait3A_764 : memref<64x128xf32, #tpu.memory_space<hbm>>) dst(%dma_wait3A_762 : memref<64x128xf32, #tpu.memory_space<vmem>>)
    %add3A_765 = arith.constant 0 : i32
    %add3A_766 = vector.broadcast %add3A_765 : i32 to vector<16xi32>
    %add3A_767 = arith.addi %add3A_766, %iota3A : vector<16xi32>
    %broadcast_in_dim3A_768 = arith.constant 0 : i32
    %broadcast_in_dim3A_769 = vector.broadcast %broadcast_in_dim3A_768 : i32 to vector<16xi32>
    %add3A_770 = vector.broadcast %sub3A_252 : i32 to vector<16xi32>
    %add3A_771 = arith.addi %broadcast_in_dim3A_769, %add3A_770 : vector<16xi32>
    %gather3A_772 = arith.constant 4 : i32
    %gather3A_773 = arith.constant 0 : i32
    %gather3A_774 = arith.constant 0 : i32
    %gather3A_775 = tpu.memref_slice %arg6[%gather3A_772, %gather3A_773, %gather3A_774] : memref<8x64x128xf32, #tpu.memory_space<vmem>> -> memref<1x64x128xf32, #tpu.memory_space<vmem>>
    %gather3A_776 = tpu.memref_squeeze %gather3A_775 : memref<1x64x128xf32, #tpu.memory_space<vmem>> -> memref<64x128xf32, #tpu.memory_space<vmem>>
    %gather3A_777 = tpu.vector_load_idx %gather3A_776[%add3A_767, %add3A_771] : memref<64x128xf32, #tpu.memory_space<vmem>>[vector<16xi32>, vector<16xi32>], vector<16xf32>,
    %swap3A_778 = arith.constant 4 : i32
    %swap3A_779 = arith.index_cast %swap3A_778 : i32 to index
    %swap3A_780 = arith.constant 0 : index
    %swap3A_781 = tpu.vector_load %arg7[%swap3A_779, %swap3A_780] {strides = array<i32>} : memref<8x64xf32, #tpu.memory_space<vmem>>, vector<16xf32>,
    tpu.vector_store %arg7[%swap3A_779, %swap3A_780], %gather3A_777 {strides = array<i32>} : memref<8x64xf32, #tpu.memory_space<vmem>>, vector<16xf32>,
    %add3A_782 = arith.constant 16 : i32
    %add3A_783 = vector.broadcast %add3A_782 : i32 to vector<16xi32>
    %add3A_784 = arith.addi %add3A_783, %iota3A : vector<16xi32>
    %broadcast_in_dim3A_785 = arith.constant 0 : i32
    %broadcast_in_dim3A_786 = vector.broadcast %broadcast_in_dim3A_785 : i32 to vector<16xi32>
    %add3A_787 = vector.broadcast %sub3A_252 : i32 to vector<16xi32>
    %add3A_788 = arith.addi %broadcast_in_dim3A_786, %add3A_787 : vector<16xi32>
    %gather3A_789 = arith.constant 4 : i32
    %gather3A_790 = arith.constant 0 : i32
    %gather3A_791 = arith.constant 0 : i32
    %gather3A_792 = tpu.memref_slice %arg6[%gather3A_789, %gather3A_790, %gather3A_791] : memref<8x64x128xf32, #tpu.memory_space<vmem>> -> memref<1x64x128xf32, #tpu.memory_space<vmem>>
    %gather3A_793 = tpu.memref_squeeze %gather3A_792 : memref<1x64x128xf32, #tpu.memory_space<vmem>> -> memref<64x128xf32, #tpu.memory_space<vmem>>
    %gather3A_794 = tpu.vector_load_idx %gather3A_793[%add3A_784, %add3A_788] : memref<64x128xf32, #tpu.memory_space<vmem>>[vector<16xi32>, vector<16xi32>], vector<16xf32>,
    %swap3A_795 = arith.constant 4 : i32
    %swap3A_796 = arith.index_cast %swap3A_795 : i32 to index
    %swap3A_797 = arith.constant 16 : index
    %swap3A_798 = tpu.vector_load %arg7[%swap3A_796, %swap3A_797] {strides = array<i32>} : memref<8x64xf32, #tpu.memory_space<vmem>>, vector<16xf32>,
    tpu.vector_store %arg7[%swap3A_796, %swap3A_797], %gather3A_794 {strides = array<i32>} : memref<8x64xf32, #tpu.memory_space<vmem>>, vector<16xf32>,
    %add3A_799 = arith.constant 32 : i32
    %add3A_800 = vector.broadcast %add3A_799 : i32 to vector<16xi32>
    %add3A_801 = arith.addi %add3A_800, %iota3A : vector<16xi32>
    %broadcast_in_dim3A_802 = arith.constant 0 : i32
    %broadcast_in_dim3A_803 = vector.broadcast %broadcast_in_dim3A_802 : i32 to vector<16xi32>
    %add3A_804 = vector.broadcast %sub3A_252 : i32 to vector<16xi32>
    %add3A_805 = arith.addi %broadcast_in_dim3A_803, %add3A_804 : vector<16xi32>
    %gather3A_806 = arith.constant 4 : i32
    %gather3A_807 = arith.constant 0 : i32
    %gather3A_808 = arith.constant 0 : i32
    %gather3A_809 = tpu.memref_slice %arg6[%gather3A_806, %gather3A_807, %gather3A_808] : memref<8x64x128xf32, #tpu.memory_space<vmem>> -> memref<1x64x128xf32, #tpu.memory_space<vmem>>
    %gather3A_810 = tpu.memref_squeeze %gather3A_809 : memref<1x64x128xf32, #tpu.memory_space<vmem>> -> memref<64x128xf32, #tpu.memory_space<vmem>>
    %gather3A_811 = tpu.vector_load_idx %gather3A_810[%add3A_801, %add3A_805] : memref<64x128xf32, #tpu.memory_space<vmem>>[vector<16xi32>, vector<16xi32>], vector<16xf32>,
    %swap3A_812 = arith.constant 4 : i32
    %swap3A_813 = arith.index_cast %swap3A_812 : i32 to index
    %swap3A_814 = arith.constant 32 : index
    %swap3A_815 = tpu.vector_load %arg7[%swap3A_813, %swap3A_814] {strides = array<i32>} : memref<8x64xf32, #tpu.memory_space<vmem>>, vector<16xf32>,
    tpu.vector_store %arg7[%swap3A_813, %swap3A_814], %gather3A_811 {strides = array<i32>} : memref<8x64xf32, #tpu.memory_space<vmem>>, vector<16xf32>,
    %add3A_816 = arith.constant 48 : i32
    %add3A_817 = vector.broadcast %add3A_816 : i32 to vector<16xi32>
    %add3A_818 = arith.addi %add3A_817, %iota3A : vector<16xi32>
    %broadcast_in_dim3A_819 = arith.constant 0 : i32
    %broadcast_in_dim3A_820 = vector.broadcast %broadcast_in_dim3A_819 : i32 to vector<16xi32>
    %add3A_821 = vector.broadcast %sub3A_252 : i32 to vector<16xi32>
    %add3A_822 = arith.addi %broadcast_in_dim3A_820, %add3A_821 : vector<16xi32>
    %gather3A_823 = arith.constant 4 : i32
    %gather3A_824 = arith.constant 0 : i32
    %gather3A_825 = arith.constant 0 : i32
    %gather3A_826 = tpu.memref_slice %arg6[%gather3A_823, %gather3A_824, %gather3A_825] : memref<8x64x128xf32, #tpu.memory_space<vmem>> -> memref<1x64x128xf32, #tpu.memory_space<vmem>>
    %gather3A_827 = tpu.memref_squeeze %gather3A_826 : memref<1x64x128xf32, #tpu.memory_space<vmem>> -> memref<64x128xf32, #tpu.memory_space<vmem>>
    %gather3A_828 = tpu.vector_load_idx %gather3A_827[%add3A_818, %add3A_822] : memref<64x128xf32, #tpu.memory_space<vmem>>[vector<16xi32>, vector<16xi32>], vector<16xf32>,
    %swap3A_829 = arith.constant 4 : i32
    %swap3A_830 = arith.index_cast %swap3A_829 : i32 to index
    %swap3A_831 = arith.constant 48 : index
    %swap3A_832 = tpu.vector_load %arg7[%swap3A_830, %swap3A_831] {strides = array<i32>} : memref<8x64xf32, #tpu.memory_space<vmem>>, vector<16xf32>,
    tpu.vector_store %arg7[%swap3A_830, %swap3A_831], %gather3A_828 {strides = array<i32>} : memref<8x64xf32, #tpu.memory_space<vmem>>, vector<16xf32>,
    %dma_wait3A_833 = arith.constant 5 : i32
    %dma_wait3A_834 = arith.constant 0 : i32
    %dma_wait3A_835 = arith.constant 0 : i32
    %dma_wait3A_836 = tpu.memref_slice %arg6[%dma_wait3A_833, %dma_wait3A_834, %dma_wait3A_835] : memref<8x64x128xf32, #tpu.memory_space<vmem>> -> memref<1x64x128xf32, #tpu.memory_space<vmem>>
    %dma_wait3A_837 = tpu.memref_squeeze %dma_wait3A_836 : memref<1x64x128xf32, #tpu.memory_space<vmem>> -> memref<64x128xf32, #tpu.memory_space<vmem>>
    %dma_wait3A_838 = arith.constant 0 : i32
    %dma_wait3A_839 = tpu.memref_slice %arg2[%dma_wait3A_838, %multiple_of3A_306] : memref<64x100000xf32, #tpu.memory_space<hbm>> -> memref<64x128xf32, #tpu.memory_space<hbm>>
    %dma_wait3A_840 = arith.constant 0 : i32
    %dma_wait3A_841 = arith.constant 0 : i32
    %dma_wait3A_842 = tpu.memref_slice %arg6[%dma_wait3A_833, %dma_wait3A_840, %dma_wait3A_841] : memref<8x64x128xf32, #tpu.memory_space<vmem>> -> memref<1x64x128xf32, #tpu.memory_space<vmem>>
    %dma_wait3A_843 = tpu.memref_squeeze %dma_wait3A_842 : memref<1x64x128xf32, #tpu.memory_space<vmem>> -> memref<64x128xf32, #tpu.memory_space<vmem>>
    %dma_wait3A_844 = arith.constant 0 : i32
    %dma_wait3A_845 = tpu.memref_slice %arg2[%dma_wait3A_844, %multiple_of3A_306] : memref<64x100000xf32, #tpu.memory_space<hbm>> -> memref<64x128xf32, #tpu.memory_space<hbm>>
    tpu.wait_dma2 semaphore(%arg8 : memref<!tpu.dma_semaphore, #tpu.memory_space<semaphore_mem>>) src(%dma_wait3A_845 : memref<64x128xf32, #tpu.memory_space<hbm>>) dst(%dma_wait3A_843 : memref<64x128xf32, #tpu.memory_space<vmem>>)
    %add3A_846 = arith.constant 0 : i32
    %add3A_847 = vector.broadcast %add3A_846 : i32 to vector<16xi32>
    %add3A_848 = arith.addi %add3A_847, %iota3A : vector<16xi32>
    %broadcast_in_dim3A_849 = arith.constant 0 : i32
    %broadcast_in_dim3A_850 = vector.broadcast %broadcast_in_dim3A_849 : i32 to vector<16xi32>
    %add3A_851 = vector.broadcast %sub3A_307 : i32 to vector<16xi32>
    %add3A_852 = arith.addi %broadcast_in_dim3A_850, %add3A_851 : vector<16xi32>
    %gather3A_853 = arith.constant 5 : i32
    %gather3A_854 = arith.constant 0 : i32
    %gather3A_855 = arith.constant 0 : i32
    %gather3A_856 = tpu.memref_slice %arg6[%gather3A_853, %gather3A_854, %gather3A_855] : memref<8x64x128xf32, #tpu.memory_space<vmem>> -> memref<1x64x128xf32, #tpu.memory_space<vmem>>
    %gather3A_857 = tpu.memref_squeeze %gather3A_856 : memref<1x64x128xf32, #tpu.memory_space<vmem>> -> memref<64x128xf32, #tpu.memory_space<vmem>>
    %gather3A_858 = tpu.vector_load_idx %gather3A_857[%add3A_848, %add3A_852] : memref<64x128xf32, #tpu.memory_space<vmem>>[vector<16xi32>, vector<16xi32>], vector<16xf32>,
    %swap3A_859 = arith.constant 5 : i32
    %swap3A_860 = arith.index_cast %swap3A_859 : i32 to index
    %swap3A_861 = arith.constant 0 : index
    %swap3A_862 = tpu.vector_load %arg7[%swap3A_860, %swap3A_861] {strides = array<i32>} : memref<8x64xf32, #tpu.memory_space<vmem>>, vector<16xf32>,
    tpu.vector_store %arg7[%swap3A_860, %swap3A_861], %gather3A_858 {strides = array<i32>} : memref<8x64xf32, #tpu.memory_space<vmem>>, vector<16xf32>,
    %add3A_863 = arith.constant 16 : i32
    %add3A_864 = vector.broadcast %add3A_863 : i32 to vector<16xi32>
    %add3A_865 = arith.addi %add3A_864, %iota3A : vector<16xi32>
    %broadcast_in_dim3A_866 = arith.constant 0 : i32
    %broadcast_in_dim3A_867 = vector.broadcast %broadcast_in_dim3A_866 : i32 to vector<16xi32>
    %add3A_868 = vector.broadcast %sub3A_307 : i32 to vector<16xi32>
    %add3A_869 = arith.addi %broadcast_in_dim3A_867, %add3A_868 : vector<16xi32>
    %gather3A_870 = arith.constant 5 : i32
    %gather3A_871 = arith.constant 0 : i32
    %gather3A_872 = arith.constant 0 : i32
    %gather3A_873 = tpu.memref_slice %arg6[%gather3A_870, %gather3A_871, %gather3A_872] : memref<8x64x128xf32, #tpu.memory_space<vmem>> -> memref<1x64x128xf32, #tpu.memory_space<vmem>>
    %gather3A_874 = tpu.memref_squeeze %gather3A_873 : memref<1x64x128xf32, #tpu.memory_space<vmem>> -> memref<64x128xf32, #tpu.memory_space<vmem>>
    %gather3A_875 = tpu.vector_load_idx %gather3A_874[%add3A_865, %add3A_869] : memref<64x128xf32, #tpu.memory_space<vmem>>[vector<16xi32>, vector<16xi32>], vector<16xf32>,
    %swap3A_876 = arith.constant 5 : i32
    %swap3A_877 = arith.index_cast %swap3A_876 : i32 to index
    %swap3A_878 = arith.constant 16 : index
    %swap3A_879 = tpu.vector_load %arg7[%swap3A_877, %swap3A_878] {strides = array<i32>} : memref<8x64xf32, #tpu.memory_space<vmem>>, vector<16xf32>,
    tpu.vector_store %arg7[%swap3A_877, %swap3A_878], %gather3A_875 {strides = array<i32>} : memref<8x64xf32, #tpu.memory_space<vmem>>, vector<16xf32>,
    %add3A_880 = arith.constant 32 : i32
    %add3A_881 = vector.broadcast %add3A_880 : i32 to vector<16xi32>
    %add3A_882 = arith.addi %add3A_881, %iota3A : vector<16xi32>
    %broadcast_in_dim3A_883 = arith.constant 0 : i32
    %broadcast_in_dim3A_884 = vector.broadcast %broadcast_in_dim3A_883 : i32 to vector<16xi32>
    %add3A_885 = vector.broadcast %sub3A_307 : i32 to vector<16xi32>
    %add3A_886 = arith.addi %broadcast_in_dim3A_884, %add3A_885 : vector<16xi32>
    %gather3A_887 = arith.constant 5 : i32
    %gather3A_888 = arith.constant 0 : i32
    %gather3A_889 = arith.constant 0 : i32
    %gather3A_890 = tpu.memref_slice %arg6[%gather3A_887, %gather3A_888, %gather3A_889] : memref<8x64x128xf32, #tpu.memory_space<vmem>> -> memref<1x64x128xf32, #tpu.memory_space<vmem>>
    %gather3A_891 = tpu.memref_squeeze %gather3A_890 : memref<1x64x128xf32, #tpu.memory_space<vmem>> -> memref<64x128xf32, #tpu.memory_space<vmem>>
    %gather3A_892 = tpu.vector_load_idx %gather3A_891[%add3A_882, %add3A_886] : memref<64x128xf32, #tpu.memory_space<vmem>>[vector<16xi32>, vector<16xi32>], vector<16xf32>,
    %swap3A_893 = arith.constant 5 : i32
    %swap3A_894 = arith.index_cast %swap3A_893 : i32 to index
    %swap3A_895 = arith.constant 32 : index
    %swap3A_896 = tpu.vector_load %arg7[%swap3A_894, %swap3A_895] {strides = array<i32>} : memref<8x64xf32, #tpu.memory_space<vmem>>, vector<16xf32>,
    tpu.vector_store %arg7[%swap3A_894, %swap3A_895], %gather3A_892 {strides = array<i32>} : memref<8x64xf32, #tpu.memory_space<vmem>>, vector<16xf32>,
    %add3A_897 = arith.constant 48 : i32
    %add3A_898 = vector.broadcast %add3A_897 : i32 to vector<16xi32>
    %add3A_899 = arith.addi %add3A_898, %iota3A : vector<16xi32>
    %broadcast_in_dim3A_900 = arith.constant 0 : i32
    %broadcast_in_dim3A_901 = vector.broadcast %broadcast_in_dim3A_900 : i32 to vector<16xi32>
    %add3A_902 = vector.broadcast %sub3A_307 : i32 to vector<16xi32>
    %add3A_903 = arith.addi %broadcast_in_dim3A_901, %add3A_902 : vector<16xi32>
    %gather3A_904 = arith.constant 5 : i32
    %gather3A_905 = arith.constant 0 : i32
    %gather3A_906 = arith.constant 0 : i32
    %gather3A_907 = tpu.memref_slice %arg6[%gather3A_904, %gather3A_905, %gather3A_906] : memref<8x64x128xf32, #tpu.memory_space<vmem>> -> memref<1x64x128xf32, #tpu.memory_space<vmem>>
    %gather3A_908 = tpu.memref_squeeze %gather3A_907 : memref<1x64x128xf32, #tpu.memory_space<vmem>> -> memref<64x128xf32, #tpu.memory_space<vmem>>
    %gather3A_909 = tpu.vector_load_idx %gather3A_908[%add3A_899, %add3A_903] : memref<64x128xf32, #tpu.memory_space<vmem>>[vector<16xi32>, vector<16xi32>], vector<16xf32>,
    %swap3A_910 = arith.constant 5 : i32
    %swap3A_911 = arith.index_cast %swap3A_910 : i32 to index
    %swap3A_912 = arith.constant 48 : index
    %swap3A_913 = tpu.vector_load %arg7[%swap3A_911, %swap3A_912] {strides = array<i32>} : memref<8x64xf32, #tpu.memory_space<vmem>>, vector<16xf32>,
    tpu.vector_store %arg7[%swap3A_911, %swap3A_912], %gather3A_909 {strides = array<i32>} : memref<8x64xf32, #tpu.memory_space<vmem>>, vector<16xf32>,
    %dma_wait3A_914 = arith.constant 6 : i32
    %dma_wait3A_915 = arith.constant 0 : i32
    %dma_wait3A_916 = arith.constant 0 : i32
    %dma_wait3A_917 = tpu.memref_slice %arg6[%dma_wait3A_914, %dma_wait3A_915, %dma_wait3A_916] : memref<8x64x128xf32, #tpu.memory_space<vmem>> -> memref<1x64x128xf32, #tpu.memory_space<vmem>>
    %dma_wait3A_918 = tpu.memref_squeeze %dma_wait3A_917 : memref<1x64x128xf32, #tpu.memory_space<vmem>> -> memref<64x128xf32, #tpu.memory_space<vmem>>
    %dma_wait3A_919 = arith.constant 0 : i32
    %dma_wait3A_920 = tpu.memref_slice %arg2[%dma_wait3A_919, %multiple_of3A_361] : memref<64x100000xf32, #tpu.memory_space<hbm>> -> memref<64x128xf32, #tpu.memory_space<hbm>>
    %dma_wait3A_921 = arith.constant 0 : i32
    %dma_wait3A_922 = arith.constant 0 : i32
    %dma_wait3A_923 = tpu.memref_slice %arg6[%dma_wait3A_914, %dma_wait3A_921, %dma_wait3A_922] : memref<8x64x128xf32, #tpu.memory_space<vmem>> -> memref<1x64x128xf32, #tpu.memory_space<vmem>>
    %dma_wait3A_924 = tpu.memref_squeeze %dma_wait3A_923 : memref<1x64x128xf32, #tpu.memory_space<vmem>> -> memref<64x128xf32, #tpu.memory_space<vmem>>
    %dma_wait3A_925 = arith.constant 0 : i32
    %dma_wait3A_926 = tpu.memref_slice %arg2[%dma_wait3A_925, %multiple_of3A_361] : memref<64x100000xf32, #tpu.memory_space<hbm>> -> memref<64x128xf32, #tpu.memory_space<hbm>>
    tpu.wait_dma2 semaphore(%arg8 : memref<!tpu.dma_semaphore, #tpu.memory_space<semaphore_mem>>) src(%dma_wait3A_926 : memref<64x128xf32, #tpu.memory_space<hbm>>) dst(%dma_wait3A_924 : memref<64x128xf32, #tpu.memory_space<vmem>>)
    %add3A_927 = arith.constant 0 : i32
    %add3A_928 = vector.broadcast %add3A_927 : i32 to vector<16xi32>
    %add3A_929 = arith.addi %add3A_928, %iota3A : vector<16xi32>
    %broadcast_in_dim3A_930 = arith.constant 0 : i32
    %broadcast_in_dim3A_931 = vector.broadcast %broadcast_in_dim3A_930 : i32 to vector<16xi32>
    %add3A_932 = vector.broadcast %sub3A_362 : i32 to vector<16xi32>
    %add3A_933 = arith.addi %broadcast_in_dim3A_931, %add3A_932 : vector<16xi32>
    %gather3A_934 = arith.constant 6 : i32
    %gather3A_935 = arith.constant 0 : i32
    %gather3A_936 = arith.constant 0 : i32
    %gather3A_937 = tpu.memref_slice %arg6[%gather3A_934, %gather3A_935, %gather3A_936] : memref<8x64x128xf32, #tpu.memory_space<vmem>> -> memref<1x64x128xf32, #tpu.memory_space<vmem>>
    %gather3A_938 = tpu.memref_squeeze %gather3A_937 : memref<1x64x128xf32, #tpu.memory_space<vmem>> -> memref<64x128xf32, #tpu.memory_space<vmem>>
    %gather3A_939 = tpu.vector_load_idx %gather3A_938[%add3A_929, %add3A_933] : memref<64x128xf32, #tpu.memory_space<vmem>>[vector<16xi32>, vector<16xi32>], vector<16xf32>,
    %swap3A_940 = arith.constant 6 : i32
    %swap3A_941 = arith.index_cast %swap3A_940 : i32 to index
    %swap3A_942 = arith.constant 0 : index
    %swap3A_943 = tpu.vector_load %arg7[%swap3A_941, %swap3A_942] {strides = array<i32>} : memref<8x64xf32, #tpu.memory_space<vmem>>, vector<16xf32>,
    tpu.vector_store %arg7[%swap3A_941, %swap3A_942], %gather3A_939 {strides = array<i32>} : memref<8x64xf32, #tpu.memory_space<vmem>>, vector<16xf32>,
    %add3A_944 = arith.constant 16 : i32
    %add3A_945 = vector.broadcast %add3A_944 : i32 to vector<16xi32>
    %add3A_946 = arith.addi %add3A_945, %iota3A : vector<16xi32>
    %broadcast_in_dim3A_947 = arith.constant 0 : i32
    %broadcast_in_dim3A_948 = vector.broadcast %broadcast_in_dim3A_947 : i32 to vector<16xi32>
    %add3A_949 = vector.broadcast %sub3A_362 : i32 to vector<16xi32>
    %add3A_950 = arith.addi %broadcast_in_dim3A_948, %add3A_949 : vector<16xi32>
    %gather3A_951 = arith.constant 6 : i32
    %gather3A_952 = arith.constant 0 : i32
    %gather3A_953 = arith.constant 0 : i32
    %gather3A_954 = tpu.memref_slice %arg6[%gather3A_951, %gather3A_952, %gather3A_953] : memref<8x64x128xf32, #tpu.memory_space<vmem>> -> memref<1x64x128xf32, #tpu.memory_space<vmem>>
    %gather3A_955 = tpu.memref_squeeze %gather3A_954 : memref<1x64x128xf32, #tpu.memory_space<vmem>> -> memref<64x128xf32, #tpu.memory_space<vmem>>
    %gather3A_956 = tpu.vector_load_idx %gather3A_955[%add3A_946, %add3A_950] : memref<64x128xf32, #tpu.memory_space<vmem>>[vector<16xi32>, vector<16xi32>], vector<16xf32>,
    %swap3A_957 = arith.constant 6 : i32
    %swap3A_958 = arith.index_cast %swap3A_957 : i32 to index
    %swap3A_959 = arith.constant 16 : index
    %swap3A_960 = tpu.vector_load %arg7[%swap3A_958, %swap3A_959] {strides = array<i32>} : memref<8x64xf32, #tpu.memory_space<vmem>>, vector<16xf32>,
    tpu.vector_store %arg7[%swap3A_958, %swap3A_959], %gather3A_956 {strides = array<i32>} : memref<8x64xf32, #tpu.memory_space<vmem>>, vector<16xf32>,
    %add3A_961 = arith.constant 32 : i32
    %add3A_962 = vector.broadcast %add3A_961 : i32 to vector<16xi32>
    %add3A_963 = arith.addi %add3A_962, %iota3A : vector<16xi32>
    %broadcast_in_dim3A_964 = arith.constant 0 : i32
    %broadcast_in_dim3A_965 = vector.broadcast %broadcast_in_dim3A_964 : i32 to vector<16xi32>
    %add3A_966 = vector.broadcast %sub3A_362 : i32 to vector<16xi32>
    %add3A_967 = arith.addi %broadcast_in_dim3A_965, %add3A_966 : vector<16xi32>
    %gather3A_968 = arith.constant 6 : i32
    %gather3A_969 = arith.constant 0 : i32
    %gather3A_970 = arith.constant 0 : i32
    %gather3A_971 = tpu.memref_slice %arg6[%gather3A_968, %gather3A_969, %gather3A_970] : memref<8x64x128xf32, #tpu.memory_space<vmem>> -> memref<1x64x128xf32, #tpu.memory_space<vmem>>
    %gather3A_972 = tpu.memref_squeeze %gather3A_971 : memref<1x64x128xf32, #tpu.memory_space<vmem>> -> memref<64x128xf32, #tpu.memory_space<vmem>>
    %gather3A_973 = tpu.vector_load_idx %gather3A_972[%add3A_963, %add3A_967] : memref<64x128xf32, #tpu.memory_space<vmem>>[vector<16xi32>, vector<16xi32>], vector<16xf32>,
    %swap3A_974 = arith.constant 6 : i32
    %swap3A_975 = arith.index_cast %swap3A_974 : i32 to index
    %swap3A_976 = arith.constant 32 : index
    %swap3A_977 = tpu.vector_load %arg7[%swap3A_975, %swap3A_976] {strides = array<i32>} : memref<8x64xf32, #tpu.memory_space<vmem>>, vector<16xf32>,
    tpu.vector_store %arg7[%swap3A_975, %swap3A_976], %gather3A_973 {strides = array<i32>} : memref<8x64xf32, #tpu.memory_space<vmem>>, vector<16xf32>,
    %add3A_978 = arith.constant 48 : i32
    %add3A_979 = vector.broadcast %add3A_978 : i32 to vector<16xi32>
    %add3A_980 = arith.addi %add3A_979, %iota3A : vector<16xi32>
    %broadcast_in_dim3A_981 = arith.constant 0 : i32
    %broadcast_in_dim3A_982 = vector.broadcast %broadcast_in_dim3A_981 : i32 to vector<16xi32>
    %add3A_983 = vector.broadcast %sub3A_362 : i32 to vector<16xi32>
    %add3A_984 = arith.addi %broadcast_in_dim3A_982, %add3A_983 : vector<16xi32>
    %gather3A_985 = arith.constant 6 : i32
    %gather3A_986 = arith.constant 0 : i32
    %gather3A_987 = arith.constant 0 : i32
    %gather3A_988 = tpu.memref_slice %arg6[%gather3A_985, %gather3A_986, %gather3A_987] : memref<8x64x128xf32, #tpu.memory_space<vmem>> -> memref<1x64x128xf32, #tpu.memory_space<vmem>>
    %gather3A_989 = tpu.memref_squeeze %gather3A_988 : memref<1x64x128xf32, #tpu.memory_space<vmem>> -> memref<64x128xf32, #tpu.memory_space<vmem>>
    %gather3A_990 = tpu.vector_load_idx %gather3A_989[%add3A_980, %add3A_984] : memref<64x128xf32, #tpu.memory_space<vmem>>[vector<16xi32>, vector<16xi32>], vector<16xf32>,
    %swap3A_991 = arith.constant 6 : i32
    %swap3A_992 = arith.index_cast %swap3A_991 : i32 to index
    %swap3A_993 = arith.constant 48 : index
    %swap3A_994 = tpu.vector_load %arg7[%swap3A_992, %swap3A_993] {strides = array<i32>} : memref<8x64xf32, #tpu.memory_space<vmem>>, vector<16xf32>,
    tpu.vector_store %arg7[%swap3A_992, %swap3A_993], %gather3A_990 {strides = array<i32>} : memref<8x64xf32, #tpu.memory_space<vmem>>, vector<16xf32>,
    %dma_wait3A_995 = arith.constant 7 : i32
    %dma_wait3A_996 = arith.constant 0 : i32
    %dma_wait3A_997 = arith.constant 0 : i32
    %dma_wait3A_998 = tpu.memref_slice %arg6[%dma_wait3A_995, %dma_wait3A_996, %dma_wait3A_997] : memref<8x64x128xf32, #tpu.memory_space<vmem>> -> memref<1x64x128xf32, #tpu.memory_space<vmem>>
    %dma_wait3A_999 = tpu.memref_squeeze %dma_wait3A_998 : memref<1x64x128xf32, #tpu.memory_space<vmem>> -> memref<64x128xf32, #tpu.memory_space<vmem>>
    %dma_wait3A_1000 = arith.constant 0 : i32
    %dma_wait3A_1001 = tpu.memref_slice %arg2[%dma_wait3A_1000, %multiple_of3A_416] : memref<64x100000xf32, #tpu.memory_space<hbm>> -> memref<64x128xf32, #tpu.memory_space<hbm>>
    %dma_wait3A_1002 = arith.constant 0 : i32
    %dma_wait3A_1003 = arith.constant 0 : i32
    %dma_wait3A_1004 = tpu.memref_slice %arg6[%dma_wait3A_995, %dma_wait3A_1002, %dma_wait3A_1003] : memref<8x64x128xf32, #tpu.memory_space<vmem>> -> memref<1x64x128xf32, #tpu.memory_space<vmem>>
    %dma_wait3A_1005 = tpu.memref_squeeze %dma_wait3A_1004 : memref<1x64x128xf32, #tpu.memory_space<vmem>> -> memref<64x128xf32, #tpu.memory_space<vmem>>
    %dma_wait3A_1006 = arith.constant 0 : i32
    %dma_wait3A_1007 = tpu.memref_slice %arg2[%dma_wait3A_1006, %multiple_of3A_416] : memref<64x100000xf32, #tpu.memory_space<hbm>> -> memref<64x128xf32, #tpu.memory_space<hbm>>
    tpu.wait_dma2 semaphore(%arg8 : memref<!tpu.dma_semaphore, #tpu.memory_space<semaphore_mem>>) src(%dma_wait3A_1007 : memref<64x128xf32, #tpu.memory_space<hbm>>) dst(%dma_wait3A_1005 : memref<64x128xf32, #tpu.memory_space<vmem>>)
    %add3A_1008 = arith.constant 0 : i32
    %add3A_1009 = vector.broadcast %add3A_1008 : i32 to vector<16xi32>
    %add3A_1010 = arith.addi %add3A_1009, %iota3A : vector<16xi32>
    %broadcast_in_dim3A_1011 = arith.constant 0 : i32
    %broadcast_in_dim3A_1012 = vector.broadcast %broadcast_in_dim3A_1011 : i32 to vector<16xi32>
    %add3A_1013 = vector.broadcast %sub3A_417 : i32 to vector<16xi32>
    %add3A_1014 = arith.addi %broadcast_in_dim3A_1012, %add3A_1013 : vector<16xi32>
    %gather3A_1015 = arith.constant 7 : i32
    %gather3A_1016 = arith.constant 0 : i32
    %gather3A_1017 = arith.constant 0 : i32
    %gather3A_1018 = tpu.memref_slice %arg6[%gather3A_1015, %gather3A_1016, %gather3A_1017] : memref<8x64x128xf32, #tpu.memory_space<vmem>> -> memref<1x64x128xf32, #tpu.memory_space<vmem>>
    %gather3A_1019 = tpu.memref_squeeze %gather3A_1018 : memref<1x64x128xf32, #tpu.memory_space<vmem>> -> memref<64x128xf32, #tpu.memory_space<vmem>>
    %gather3A_1020 = tpu.vector_load_idx %gather3A_1019[%add3A_1010, %add3A_1014] : memref<64x128xf32, #tpu.memory_space<vmem>>[vector<16xi32>, vector<16xi32>], vector<16xf32>,
    %swap3A_1021 = arith.constant 7 : i32
    %swap3A_1022 = arith.index_cast %swap3A_1021 : i32 to index
    %swap3A_1023 = arith.constant 0 : index
    %swap3A_1024 = tpu.vector_load %arg7[%swap3A_1022, %swap3A_1023] {strides = array<i32>} : memref<8x64xf32, #tpu.memory_space<vmem>>, vector<16xf32>,
    tpu.vector_store %arg7[%swap3A_1022, %swap3A_1023], %gather3A_1020 {strides = array<i32>} : memref<8x64xf32, #tpu.memory_space<vmem>>, vector<16xf32>,
    %add3A_1025 = arith.constant 16 : i32
    %add3A_1026 = vector.broadcast %add3A_1025 : i32 to vector<16xi32>
    %add3A_1027 = arith.addi %add3A_1026, %iota3A : vector<16xi32>
    %broadcast_in_dim3A_1028 = arith.constant 0 : i32
    %broadcast_in_dim3A_1029 = vector.broadcast %broadcast_in_dim3A_1028 : i32 to vector<16xi32>
    %add3A_1030 = vector.broadcast %sub3A_417 : i32 to vector<16xi32>
    %add3A_1031 = arith.addi %broadcast_in_dim3A_1029, %add3A_1030 : vector<16xi32>
    %gather3A_1032 = arith.constant 7 : i32
    %gather3A_1033 = arith.constant 0 : i32
    %gather3A_1034 = arith.constant 0 : i32
    %gather3A_1035 = tpu.memref_slice %arg6[%gather3A_1032, %gather3A_1033, %gather3A_1034] : memref<8x64x128xf32, #tpu.memory_space<vmem>> -> memref<1x64x128xf32, #tpu.memory_space<vmem>>
    %gather3A_1036 = tpu.memref_squeeze %gather3A_1035 : memref<1x64x128xf32, #tpu.memory_space<vmem>> -> memref<64x128xf32, #tpu.memory_space<vmem>>
    %gather3A_1037 = tpu.vector_load_idx %gather3A_1036[%add3A_1027, %add3A_1031] : memref<64x128xf32, #tpu.memory_space<vmem>>[vector<16xi32>, vector<16xi32>], vector<16xf32>,
    %swap3A_1038 = arith.constant 7 : i32
    %swap3A_1039 = arith.index_cast %swap3A_1038 : i32 to index
    %swap3A_1040 = arith.constant 16 : index
    %swap3A_1041 = tpu.vector_load %arg7[%swap3A_1039, %swap3A_1040] {strides = array<i32>} : memref<8x64xf32, #tpu.memory_space<vmem>>, vector<16xf32>,
    tpu.vector_store %arg7[%swap3A_1039, %swap3A_1040], %gather3A_1037 {strides = array<i32>} : memref<8x64xf32, #tpu.memory_space<vmem>>, vector<16xf32>,
    %add3A_1042 = arith.constant 32 : i32
    %add3A_1043 = vector.broadcast %add3A_1042 : i32 to vector<16xi32>
    %add3A_1044 = arith.addi %add3A_1043, %iota3A : vector<16xi32>
    %broadcast_in_dim3A_1045 = arith.constant 0 : i32
    %broadcast_in_dim3A_1046 = vector.broadcast %broadcast_in_dim3A_1045 : i32 to vector<16xi32>
    %add3A_1047 = vector.broadcast %sub3A_417 : i32 to vector<16xi32>
    %add3A_1048 = arith.addi %broadcast_in_dim3A_1046, %add3A_1047 : vector<16xi32>
    %gather3A_1049 = arith.constant 7 : i32
    %gather3A_1050 = arith.constant 0 : i32
    %gather3A_1051 = arith.constant 0 : i32
    %gather3A_1052 = tpu.memref_slice %arg6[%gather3A_1049, %gather3A_1050, %gather3A_1051] : memref<8x64x128xf32, #tpu.memory_space<vmem>> -> memref<1x64x128xf32, #tpu.memory_space<vmem>>
    %gather3A_1053 = tpu.memref_squeeze %gather3A_1052 : memref<1x64x128xf32, #tpu.memory_space<vmem>> -> memref<64x128xf32, #tpu.memory_space<vmem>>
    %gather3A_1054 = tpu.vector_load_idx %gather3A_1053[%add3A_1044, %add3A_1048] : memref<64x128xf32, #tpu.memory_space<vmem>>[vector<16xi32>, vector<16xi32>], vector<16xf32>,
    %swap3A_1055 = arith.constant 7 : i32
    %swap3A_1056 = arith.index_cast %swap3A_1055 : i32 to index
    %swap3A_1057 = arith.constant 32 : index
    %swap3A_1058 = tpu.vector_load %arg7[%swap3A_1056, %swap3A_1057] {strides = array<i32>} : memref<8x64xf32, #tpu.memory_space<vmem>>, vector<16xf32>,
    tpu.vector_store %arg7[%swap3A_1056, %swap3A_1057], %gather3A_1054 {strides = array<i32>} : memref<8x64xf32, #tpu.memory_space<vmem>>, vector<16xf32>,
    %add3A_1059 = arith.constant 48 : i32
    %add3A_1060 = vector.broadcast %add3A_1059 : i32 to vector<16xi32>
    %add3A_1061 = arith.addi %add3A_1060, %iota3A : vector<16xi32>
    %broadcast_in_dim3A_1062 = arith.constant 0 : i32
    %broadcast_in_dim3A_1063 = vector.broadcast %broadcast_in_dim3A_1062 : i32 to vector<16xi32>
    %add3A_1064 = vector.broadcast %sub3A_417 : i32 to vector<16xi32>
    %add3A_1065 = arith.addi %broadcast_in_dim3A_1063, %add3A_1064 : vector<16xi32>
    %gather3A_1066 = arith.constant 7 : i32
    %gather3A_1067 = arith.constant 0 : i32
    %gather3A_1068 = arith.constant 0 : i32
    %gather3A_1069 = tpu.memref_slice %arg6[%gather3A_1066, %gather3A_1067, %gather3A_1068] : memref<8x64x128xf32, #tpu.memory_space<vmem>> -> memref<1x64x128xf32, #tpu.memory_space<vmem>>
    %gather3A_1070 = tpu.memref_squeeze %gather3A_1069 : memref<1x64x128xf32, #tpu.memory_space<vmem>> -> memref<64x128xf32, #tpu.memory_space<vmem>>
    %gather3A_1071 = tpu.vector_load_idx %gather3A_1070[%add3A_1061, %add3A_1065] : memref<64x128xf32, #tpu.memory_space<vmem>>[vector<16xi32>, vector<16xi32>], vector<16xf32>,
    %swap3A_1072 = arith.constant 7 : i32
    %swap3A_1073 = arith.index_cast %swap3A_1072 : i32 to index
    %swap3A_1074 = arith.constant 48 : index
    %swap3A_1075 = tpu.vector_load %arg7[%swap3A_1073, %swap3A_1074] {strides = array<i32>} : memref<8x64xf32, #tpu.memory_space<vmem>>, vector<16xf32>,
    tpu.vector_store %arg7[%swap3A_1073, %swap3A_1074], %gather3A_1071 {strides = array<i32>} : memref<8x64xf32, #tpu.memory_space<vmem>>, vector<16xf32>,
    "tpu.region"() ({
      %run_scoped3A = tpu.sem_alloc : memref<!tpu.dma_semaphore, #tpu.memory_space<semaphore_mem>>
      %dma_start3A_1076 = arith.constant 0 : i32
      %dma_start3A_1077 = tpu.memref_slice %arg4[%mul3A_2, %dma_start3A_1076] : memref<256x64xf32, #tpu.memory_space<hbm>> -> memref<8x64xf32, #tpu.memory_space<hbm>>
      %dma_start3A_1078 = arith.constant 0 : i32
      %dma_start3A_1079 = tpu.memref_slice %arg4[%mul3A_2, %dma_start3A_1078] : memref<256x64xf32, #tpu.memory_space<hbm>> -> memref<8x64xf32, #tpu.memory_space<hbm>>
      tpu.enqueue_dma source(%arg7 : memref<8x64xf32, #tpu.memory_space<vmem>>) target(%dma_start3A_1079 : memref<8x64xf32, #tpu.memory_space<hbm>>) target_semaphore(%run_scoped3A : memref<!tpu.dma_semaphore, #tpu.memory_space<semaphore_mem>>)
      %dma_wait3A_1080 = arith.constant 0 : i32
      %dma_wait3A_1081 = tpu.memref_slice %arg4[%mul3A_2, %dma_wait3A_1080] : memref<256x64xf32, #tpu.memory_space<hbm>> -> memref<8x64xf32, #tpu.memory_space<hbm>>
      %dma_wait3A_1082 = arith.constant 0 : i32
      %dma_wait3A_1083 = tpu.memref_slice %arg4[%mul3A_2, %dma_wait3A_1082] : memref<256x64xf32, #tpu.memory_space<hbm>> -> memref<8x64xf32, #tpu.memory_space<hbm>>
      tpu.wait_dma2 semaphore(%run_scoped3A : memref<!tpu.dma_semaphore, #tpu.memory_space<semaphore_mem>>) src(%arg7 : memref<8x64xf32, #tpu.memory_space<vmem>>) dst(%dma_wait3A_1083 : memref<8x64xf32, #tpu.memory_space<hbm>>)
      tpu.yield
    }) : () -> ()
    return
  }
}

module attributes {stable_mosaic.version = 14 : i64} {
  func.func @_matmul_body(%arg0: i32, %arg1: memref<256x64xf32, #tpu.memory_space<vmem>>, %arg2: memref<64x12800xf32, #tpu.memory_space<vmem>>, %arg3: memref<256x12800xf32, #tpu.memory_space<vmem>>) attributes {dimension_semantics = [#tpu.dimension_semantics<arbitrary>], iteration_bounds = array<i64: 8>, scalar_prefetch = 0 : i64, scratch_operands = 0 : i64, tpu.core_type = #tpu.core_type<tc>, window_params = [{pipeline_mode = #tpu.pipeline_mode<synchronous>, transform_indices = @transform_0, window_bounds = array<i64: 256, 64>}, {transform_indices = @transform_1, window_bounds = array<i64: 64, 12800>}, {transform_indices = @transform_2, window_bounds = array<i64: 256, 12800>}]} {
    %get3A = arith.constant 0 : index
    %get3A_0 = arith.constant 0 : index
    %get3A_1 = vector.load %arg1[%get3A, %get3A_0] : memref<256x64xf32, #tpu.memory_space<vmem>>, vector<256x64xf32>
    %get3A_2 = arith.constant 0 : index
    %get3A_3 = arith.constant 0 : index
    %get3A_4 = vector.load %arg2[%get3A_2, %get3A_3] : memref<64x12800xf32, #tpu.memory_space<vmem>>, vector<64x12800xf32>
    %dot_general3A = arith.constant dense<0.000000e+00> : vector<256x12800xf32>
    %dot_general3A_5 = tpu.matmul %get3A_1, %get3A_4, %dot_general3A {dimension_numbers = #tpu.dot_dimension_numbers<[1], [0], [0], [1], [0, 0, 1, 1], [], []>, transpose_lhs_hint = false} : vector<256x64xf32>, vector<64x12800xf32>, vector<256x12800xf32> -> vector<256x12800xf32>
    %swap3A = arith.constant 0 : index
    %swap3A_6 = arith.constant 0 : index
    %swap3A_7 = vector.load %arg3[%swap3A, %swap3A_6] : memref<256x12800xf32, #tpu.memory_space<vmem>>, vector<256x12800xf32>
    tpu.vector_store %arg3[%swap3A, %swap3A_6], %dot_general3A_5 {strides = array<i32>} : memref<256x12800xf32, #tpu.memory_space<vmem>>, vector<256x12800xf32>,
    return
  }
  func.func @transform_0(%arg0: i32) -> (i32, i32) {
    %c0_i32 = arith.constant 0 : i32
    %c0_i32_0 = arith.constant 0 : i32
    %c0_i32_1 = arith.constant 0 : i32
    return %c0_i32, %c0_i32_0 : i32, i32
  }
  func.func @transform_1(%arg0: i32) -> (i32, i32) {
    %c0_i32 = arith.constant 0 : i32
    %c0_i32_0 = arith.constant 0 : i32
    return %c0_i32, %arg0 : i32, i32
  }
  func.func @transform_2(%arg0: i32) -> (i32, i32) {
    %c0_i32 = arith.constant 0 : i32
    %c0_i32_0 = arith.constant 0 : i32
    return %c0_i32, %arg0 : i32, i32
  }
}

</mosaic_0001>

<sc_bundles>
// kernel: kernel.4.cloned.1.call-start
scs
__scs_entry_jumppad:
0x0: {  	(pc) =	sbr.rel $0x88, $3  }
0x1: {  	(tag) =	ssettag $0x0;
	lr =	simm.s32 $0x1  }
0x2: {  	[smem:$0x3F9E] =	sst lr;
	_ =	strace $0xD0000000  }
0x3: {  	_ = 	snop  }
0x4: {  	_ = 	snop  }
0x5: {  	_ = 	snop  }
0x6: {  	_ = 	snop  }
0x7: {  	_ = 	snop  }
__scs_overlays_trampoline_lowered:
0x8: {  	[smem:$0x3FAD] =	sst s0  }
0x9: {  	[smem:$0x3FAE] =	sst s1  }
0xa: {  	[smem:$0x3FAF] =	sst s2  }
0xb: {  	[smem:$0x3FB0] =	sst s3  }
0xc: {  	[smem:$0x3FB1] =	sst s4  }
0xd: {  	[smem:$0x3FB2] =	sst s5  }
0xe: {  	[smem:$0x3FB3] =	sst s6  }
0xf: {  	[smem:$0x3FB4] =	sst s7  }
0x10: {  	[smem:$0x3FB5] =	sst s8  }
0x11: {  	[smem:$0x3FB6] =	sst s9;
	s0 =	simm.s32 @!p0 $0x0  }
0x12: {  	s1 =	sld [smem:$0x3F9C];
	s0 =	simm.s32 @p0 $0x1  }
0x13: {  	[smem:$0x3FB7] =	sst s0;
	s0 =	simm.s32 @!p1 $0x0  }
0x14: {  	s2 =	sld [smem:$0x3F9B];
	s0 =	simm.s32 @p1 $0x1  }
0x15: {  	[smem:$0x3FB8] =	sst s0;
	s0 =	simm.s32 @!p2 $0x0  }
0x16: {  	s3 =	sld [smem:$0x3FDB];
	s0 =	simm.s32 @p2 $0x1  }
0x17: {  	s4 =	simm.s32 $0x1BF5;
	[smem:$0x3FBA] =	sst s0  }
0x18: {  	s0 =	sld [smem:$0x3F9D];
	_ =	swait.ge [sflag:s4], $0x0  }
0x19: {  	s7 =	sld [smem:$0x3F9E]  }
0x1a: {  	s8 =	sadd.s32 $0xFFFFE003, lr  }
0x1b: {  	s9 =	sadd.s32 $0xFFFFFEF7, lr;
	s5 =	simm.s32 $0xFFFFFFFF;
	p2 =	slt.u32 s8, $0xFFFFF086  }
0x1c: {  	p1 =	slt.u32 s9, $0xF7A;
	s5 =	simm.s32 @!p2 $0x0  }
0x1d: {  	s5 =	simm.s32 @p1 $0x1;
	p0 =	seq.s32 s7, s2  }
0x1e: {  	s7 =	smul.u32 @!p0 $0xF7A, s2;
	p2 =	seq.s32 @!p0 s5, $0x0  }
0x1f: {  	s9 =	smul.u32 $0xF7A, s1;
	s8 =	simm.s32 @!p0 $0x1BF5;
	p2 =	por !p2, p0  }
0x20: {  	[sflag:s8] =	ssyncset.s32 @!p0 $0xFFFFF086;
	s6 =	sadd.s32 @!p0 s3, s7;
	s7 =	simm.s32 @!p0 $0x108  }
0x21: {  	s3 =	sadd.s32 s3, s9;
	s6 =	sadd.s32 @!p0 $0x88, s6;
	s7 =	simm.s32 @p2 $0x1082  }
0x22: {  	[simem:s7], [sflag:s8] =	dma.local @!p0 [hbm:s6], $0xF7A  }
0x23: {  	s9 =	sor.u32 $0xD0000000, s2;
	s6 =	simm.s32 $0x108;
	_ =	swait.ge @!p0 [sflag:s8], $0x0  }
0x24: {  	s3 =	sadd.s32 $0x88, s3;
	s6 =	simm.s32 @!p1 $0x1082;
	[sflag:s4] =	ssyncset.s32 $0xFFFFF086  }
0x25: {  	[simem:s6], [sflag:s4] =	dma.local [hbm:s3], $0xF7A  }
0x26: {  	[smem:$0x3F9E] =	sst s1;
	(tag) =	ssettag s2;
	_ =	strace s9  }
0x27: {  	s1 =	sld [smem:$0x3FAE]  }
0x28: {  	s2 =	sld [smem:$0x3FAF]  }
0x29: {  	s4 =	sld [smem:$0x3FB1]  }
0x2a: {  	p0 =	seq.s32 s5, $0x0;
	s5 =	sld [smem:$0x3FB2]  }
0x2b: {  	s6 =	sld [smem:$0x3FB3]  }
0x2c: {  	s7 =	sld [smem:$0x3FB4]  }
0x2d: {  	s3 =	simm.s32 $0x108;
	s8 =	sld [smem:$0x3FB5]  }
0x2e: {  	s3 =	simm.s32 @!p0 $0x1082;
	s9 =	sld [smem:$0x3FB6]  }
0x2f: {  	lr =	sadd.s32 s0, s3;
	s0 =	sld [smem:$0x3FAD]  }
0x30: {  	s3 =	sld [smem:$0x3FB0]  }
0x31: {  	[smem:$0x3FB9] =	sst s10  }
0x32: {  	s10 =	sld [smem:$0x3FB7];
	_ =	sdelay $0x3  }
0x33: {  	p0 =	seq.s32 s10, $0x1;
	s10 =	sld [smem:$0x3FB9];
	_ =	sdelay $0x3  }
0x34: {  	[smem:$0x3FB9] =	sst s10  }
0x35: {  	s10 =	sld [smem:$0x3FB8];
	_ =	sdelay $0x3  }
0x36: {  	p1 =	seq.s32 s10, $0x1;
	s10 =	sld [smem:$0x3FB9];
	_ =	sdelay $0x3  }
0x37: {  	[smem:$0x3FB9] =	sst s10  }
0x38: {  	s10 =	sld [smem:$0x3FBA]  }
0x39: {  	_ = 	snop;
	(pc) =	sbr.ind lr, $3  }
0x3a: {  	_ = 	snop  }
0x3b: {  	_ = 	snop  }
0x3c: {  	p2 =	seq.s32 s10, $0x1;
	s10 =	sld [smem:$0x3FB9]  }
0x3d: {  	_ =	shalt  }
0x3e: {  	_ =	shalt  }
0x3f: {  	_ =	shalt  }
0x40: {  	_ =	shalt  }
0x41: {  	_ =	shalt  }
0x42: {  	_ =	shalt  }
0x43: {  	_ =	shalt  }
0x44: {  	_ =	shalt  }
0x45: {  	_ =	shalt  }
0x46: {  	_ =	shalt  }
0x47: {  	_ =	shalt  }
0x48: {  	_ =	shalt  }
0x49: {  	_ =	shalt  }
0x4a: {  	_ =	shalt  }
0x4b: {  	_ =	shalt  }
0x4c: {  	_ =	shalt  }
0x4d: {  	_ =	shalt  }
0x4e: {  	_ =	shalt  }
0x4f: {  	_ =	shalt  }
0x50: {  	_ =	shalt  }
0x51: {  	_ =	shalt  }
0x52: {  	_ =	shalt  }
0x53: {  	_ =	shalt  }
0x54: {  	_ =	shalt  }
0x55: {  	_ =	shalt  }
0x56: {  	_ =	shalt  }
0x57: {  	_ =	shalt  }
0x58: {  	_ =	shalt  }
0x59: {  	_ =	shalt  }
0x5a: {  	_ =	shalt  }
0x5b: {  	_ =	shalt  }
0x5c: {  	_ =	shalt  }
0x5d: {  	_ =	shalt  }
0x5e: {  	_ =	shalt  }
0x5f: {  	_ =	shalt  }
0x60: {  	_ =	shalt  }
0x61: {  	_ =	shalt  }
0x62: {  	_ =	shalt  }
0x63: {  	_ =	shalt  }
0x64: {  	_ =	shalt  }
0x65: {  	_ =	shalt  }
0x66: {  	_ =	shalt  }
0x67: {  	_ =	shalt  }
0x68: {  	_ =	shalt  }
0x69: {  	_ =	shalt  }
0x6a: {  	_ =	shalt  }
0x6b: {  	_ =	shalt  }
0x6c: {  	_ =	shalt  }
0x6d: {  	_ =	shalt  }
0x6e: {  	_ =	shalt  }
0x6f: {  	_ =	shalt  }
0x70: {  	_ =	shalt  }
0x71: {  	_ =	shalt  }
0x72: {  	_ =	shalt  }
0x73: {  	_ =	shalt  }
0x74: {  	_ =	shalt  }
0x75: {  	_ =	shalt  }
0x76: {  	_ =	shalt  }
0x77: {  	_ =	shalt  }
0x78: {  	_ =	shalt  }
0x79: {  	_ =	shalt  }
0x7a: {  	_ =	shalt  }
0x7b: {  	_ =	shalt  }
0x7c: {  	_ =	shalt  }
0x7d: {  	_ =	shalt  }
0x7e: {  	_ =	shalt  }
0x7f: {  	_ =	shalt  }
0x80: {  	_ =	shalt  }
0x81: {  	_ =	shalt  }
0x82: {  	_ =	shalt  }
0x83: {  	_ =	shalt  }
0x84: {  	_ =	shalt  }
0x85: {  	_ =	shalt  }
0x86: {  	_ =	shalt  }
0x87: {  	_ =	shalt  }
.Lfunc_end0:
.L_simem_size_0:
called_computation_lowered:
.L_overlay_start_0:
0x88: {  	s2 =	sld [smem:$0x3FD9]  }
0x89: {  	s3 =	sld [smem:$0x3FFE];
	_ =	sdelay $0x1  }
0x8a: {  	s1 =	srdreg.scid  }
0x8b: {  	s0 =	sand.u32 $0x1, s1  }
0x8c: {  	s17 =	sshll.u32 s0, $0xA;
	s2 =	sadd.s32 s3, s2  }
0x8d: {  	s2 =	sadd.s32 s2, s17  }
0x8e: {  	[smem:$0x3FC5] =	sst s2  }
0x8f: {  	_ = 	snop  }
0x90: {  	s2 =	sld [smem:$0x3FC8]  }
0x91: {  	s18 =	sld [smem:$0x3FD0];
	(tm) =	ssettm $0x1  }
0x92: {  	s4 =	sld [smem:$0x3FFB];
	_ =	sdelay $0x3  }
0x93: {  	_ =	strace s4  }
0x94: {  	s4 =	sld [smem:$0x3FFC];
	_ =	sdelay $0x3  }
0x95: {  	_ =	strace s4  }
0x96: {  	s4 =	sld [smem:$0x3FFD];
	_ =	sdelay $0x3  }
0x97: {  	_ =	strace s4  }
0x98: {  	_ =	strace $0x8FFFFFFF  }
0x99: {  	s19 =	sld [smem:$0x3FDB];
	_ =	sdelay $0x1  }
0x9a: {  	s5 =	simm.s32 $_scs_section_size  }
0x9b: {  	s6 =	simm.s32 $_size__tile_overlayer_lowered;
	s7 =	simm.s32 $_tile_overlayer_lowered  }
0x9c: {  	s22 =	simm.s32 $0x1BFF;
	s21 =	sshll.u32 s7, $0x1;
	s4 =	sadd.s32 s5, s19  }
0x9d: {  	s8 =	simm.s32 $0x0;
	s20 =	sshll.u32 s6, $0x1;
	s6 =	sadd.s32 s21, s4  }
0x9e: {  	[timem:s8], [sflag:s22] =	dma.local [hbm:s6], s20  }
0x9f: {  	_ =	swait.ge [sflag:s22], s20  }
0xa0: {  	s5 =	ssub.s32 $0x0, s20;
	[sflag:s22] =	ssyncset.done $0x0  }
0xa1: {  	[sflag:s22] =	ssyncadd.s32 s5;
	_ =	sdelay $0x1  }
0xa2: {  	s23 =	simm.s32 $0x1B8B  }
0xa3: {  	_ =	swait.ge [sflag:s23], $0x1  }
0xa4: {  	[sflag:s23] =	ssyncset.done $0x0  }
0xa5: {  	s25 =	simm.s32 $0x1B8E;
	s24 =	sld [smem:$0x3FFE];
	[sflag:s23] =	ssyncadd.s32 $0xFFFFFFFF  }
0xa6: {  	s26 =	simm.s32 $execute0_lowered;
	[smem:$0x3FD2] =	sst s25  }
0xa7: {  	s6 =	sshll.u32 s26, $0x1;
	_ =	strace $0x80000046;
	[dreg:$0x1] =	wrdreg $0xFFFFFFFF  }
0xa8: {  	s28 =	simm.s32 $_size_execute0_lowered;
	s4 =	sadd.s32 s4, s6;
	[dreg:$0x0] =	wrdreg $0x0  }
0xa9: {  	s6 =	sshll.u32 s28, $0x1;
	[dreg:$0x2] =	wrdreg s4  }
0xaa: {  	[dreg:$0x3] =	wrdreg s6  }
0xab: {  	[dreg:$0x4] =	wrdreg $0xC0  }
0xac: {  	_ =	task [dreg:s8], $0x5FFFF  }
0xad: {  	[dreg:$0x1] =	wrdreg $0xFFFFFFFF  }
0xae: {  	[dreg:$0x0] =	wrdreg $0x60  }
0xaf: {  	[dreg:$0x2] =	wrdreg s2  }
0xb0: {  	[dreg:$0x3] =	wrdreg s24  }
0xb1: {  	[dreg:$0x4] =	wrdreg s18  }
0xb2: {  	[dreg:$0x5] =	wrdreg $0x9  }
0xb3: {  	_ =	task.clear_ibuf [dreg:s8], $0x6FFFF;
	_ =	strace $0x90000046  }
0xb4: {  	s29 =	simm.s32 $0x9;
	_ =	strace $0x80000048  }
0xb5: {  	_ =	swait.ge [sflag:s29], $0x1  }
0xb6: {  	[sflag:s29] =	ssyncadd.s32 $0xFFFFFFFF  }
0xb7: {  	_ =	strace $0x90000048  }
0xb8: {  	_ =	sfence  }
0xb9: {  	s30 =	sld [smem:$0x0];
	_ =	sdelay $0x2  }
0xba: {  	s31 =	sshll.u32 s1, $0xD;
	s1 =	sshrl.u32 s1, $0x2  }
0xbb: {  	s3 =	sand.u32 $0x4000, s31;
	s1 =	sadd.s32 s1, s30  }
0xbc: {  	s0 =	sor.u32 s3, s0;
	s1 =	sshll.u32 s1, $0x11  }
0xbd: {  	s0 =	sor.u32 s1, s0  }
0xbe: {  	s0 =	sadd.s32 $0x8F2B, s0  }
0xbf: {  	[sflag:s0] =	ssyncadd.remote.s32 $0x1  }
0xc0: {  	_ =	sfence.sel $0xFFFF  }
0xc1: {  	[dreg:$0x0] =	wrdreg $0xFFFFFFFF;
	(pc) =	sbr.abs _section_cstart, $3  }
0xc2: {  	[dreg:$0x1] =	wrdreg $0xFFFFFFFF  }
0xc3: {  	_ =	task.clear_ibuf [dreg:s8], $0x2FFFF;
	_ =	strace $0x9FFFFFFF  }
0xc4: {  	(tm) =	ssettm $0x7FFFFFFF  }
0xc5: {  	_ =	shalt  }
tec
execute0_lowered:
.L_overlay_start_1:
0x0: {  	(tag) =	ssettag $0x1  }
0x1: {  	s1 =	rddreg [dreg:$0x0];
	s0 =	srdreg.scid  }
0x2: {  	s2 =	rddreg [dreg:$0x1];
	s3 =	stileid.u32  }
0x3: {  	s4 =	rddreg [dreg:$0x2];
	s28 =	simm.s32 $0x0;
	s7 =	simm.s32 $0x400  }
0x4: {  	s8 =	simm.s32 $0xC3800;
	s9 =	simm.s32 $0x80;
	s10 =	simm.s32 $0x2080  }
0x5: {  	s11 =	simm.s32 $0x4080;
	s12 =	simm.s32 $0x6080;
	s13 =	simm.s32 $0x8080  }
0x6: {  	s14 =	simm.s32 $0xA080;
	s31 =	simm.s32 $0x10080;
	s15 =	simm.s32 $0xC080  }
0x7: {  	s16 =	simm.s32 $0xE080;
	s0 =	sand.u32 $0x1, s0;
	[smem:$0x7FF] =	sst s28  }
0x8: {  	s5 =	sshll.u32 s3, $0x4;
	s6 =	sshll.u32 s0, $0x3;
	_ =	strace $0x80000047  }
0x9: {  	vm0 =	vmmov $0x1;
	s0 =	ssub.s32 $0x2, s0;
	[dreg:$0x6] =	wrdreg s31;
	s5 =	sor.u32 s6, s5  }
0xa: {  	vm1 =	vcmask $0x308;
	vm2 =	vcmask $0x70C;
	v0 =	vlaneseq.u32;
	s29 =	sshrl.u32 s0, $0x1;
	s6 =	sshrl.u32 s5, $0x3;
	s5 =	sshll.u32 s5, $0x4  }
0xb: {  	vm3 =	vcmask $0xB10;
	vm4 =	vcmask $0xF14;
	v0 =	vmul.u32 $0x80, v0;
	s0 =	ssub.s32 s0, s29;
	s2 =	sadd.s32 s6, s2;
	s30 =	sadd.s32 s4, s5  }
0xc: {  	vm5 =	vcmask $0x1318;
	vm6 =	vcmask $0x171C;
	vm7 =	vcmask $0x1B20;
	s4 =	smax.u32 s0, $0x1;
	s2 =	sadd.s32 $0x600, s2;
	[dreg:$0x5] =	wrdreg s30  }
0xd: {  	v1 =	vor.u32 $0x800, v0;
	v2 =	vor.u32 $0x1000, v0;
	v3 =	vor.u32 $0x1800, v0;
	s5 =	simm.s32 $0x2;
	s6 =	simm.s32 $0x1;
	[dreg:$0x4] =	wrdreg s2  }
.LBB2_1:
0xe: {  	s0 =	rddreg [dreg:$0x4];
	s2 =	simm.s32 $0x0  }
0xf: {  	[tilespmem:s2], [sflag:$0x2] =	stream.linear.gather [hbm4b:s0+s2], $0x8, $0x38;
	[tilespmem:$0x10480] =	vst v63  }
0x10: {  	_ =	swait.ge [sflag:s5], $0x8  }
0x11: {  	[sflag:s5] =	ssyncset.done $0x0  }
0x12: {  	[sflag:s5] =	ssyncadd.s32 $0xFFFFFFF8  }
0x13: {  	v4 =	vld [tilespmem:$0x0];
	_ =	sdelay $0x4  }
0x14: {  	v5 =	vnsel vm0, $0x0, v4  }
0x15: {  	v5 =	vxor.u32 $0x80000000, v5  }
0x16: {  	(xrf0) =	vmax.scan.msk.u32 $0xffff, v5;
	_ =	sdelay $0x5  }
0x17: {  	v5, _, _ =	vpop (xrf0)  }
0x18: {  	(v2sf) =	vpush v5, $0xF;
	v5 =	vsel vm1, $0x0, v4  }
0x19: {  	v5 =	vxor.u32 $0x80000000, v5  }
0x1a: {  	(xrf0) =	vmax.scan.msk.u32 $0xffff, v5;
	_ =	sdelay $0x5  }
0x1b: {  	v5, _, _ =	vpop (xrf0)  }
0x1c: {  	(v2sf) =	vpush v5, $0xF  }
0x1d: {  	v5 =	vsel vm2, $0x0, v4  }
0x1e: {  	v5 =	vxor.u32 $0x80000000, v5  }
0x1f: {  	(xrf0) =	vmax.scan.msk.u32 $0xffff, v5;
	_ =	sdelay $0x2  }
0x20: {  	s30 =	spop (v2sf)  }
0x21: {  	s17 =	sxor.u32 $0x80000000, s30  }
0x22: {  	p1 =	sgt.s32 s30, $0xFFFFFFFF;
	s0 =	sand.u32 $0x7F, s30;
	p0 =	slt.s32 s17, $0x1  }
0x23: {  	s31 =	sshra.s32 s17, $0x1F;
	p3 =	sne.s32 s0, $0x0;
	v5, _, _ =	vpop (xrf0);
	p0 =	por p1, p0  }
0x24: {  	s2 =	sshrl.u32 s31, $0x19;
	(v2sf) =	vpush v5, $0xF;
	p0 =	por !p3, !p0  }
0x25: {  	v5 =	vsel vm3, $0x0, v4;
	s0 =	sadd.s32 s2, s17;
	s2 =	simm.s32 $0x1;
	p0 =	por !p0, !p0  }
0x26: {  	v5 =	vxor.u32 $0x80000000, v5;
	s0 =	sshrl.u32 s0, $0x7;
	s2 =	simm.s32 @!p0 $0x0  }
0x27: {  	(xrf0) =	vmax.scan.msk.u32 $0xffff, v5;
	s0 =	ssub.s32 s0, s2  }
0x28: {  	s20 =	sshll.u32 s0, $0x7  }
0x29: {  	s0 =	sand.u32 $0x1FFFFF80, s20;
	s3 =	spop (v2sf)  }
0x2a: {  	s0 =	sadd.s32 s1, s0;
	s18 =	sxor.u32 $0x80000000, s3  }
0x2b: {  	[tilespmem:s9], [sflag:$0x1] =	stream.strided.gather [hbm4b:s0+s7], $0x2000, s8, s7, $0x38;
	[tilespmem:$0x10480] =	vst v63  }
0x2c: {  	p5 =	sgt.s32 s3, $0xFFFFFFFF;
	p4 =	slt.s32 s18, $0x1;
	s0 =	sand.u32 $0x7F, s3  }
0x2d: {  	s19 =	sshra.s32 s18, $0x1F;
	v5, _, _ =	vpop (xrf0);
	p0 =	por p5, p4;
	p6 =	sne.s32 s0, $0x0  }
0x2e: {  	s21 =	sshrl.u32 s19, $0x19;
	(v2sf) =	vpush v5, $0xF;
	p0 =	por !p6, !p0  }
0x2f: {  	s2 =	simm.s32 $0x1;
	v5 =	vsel vm4, $0x0, v4;
	s0 =	sadd.s32 s21, s18;
	p0 =	por !p0, !p0  }
0x30: {  	v5 =	vxor.u32 $0x80000000, v5;
	s0 =	sshrl.u32 s0, $0x7;
	s2 =	simm.s32 @!p0 $0x0  }
0x31: {  	(xrf0) =	vmax.scan.msk.u32 $0xffff, v5;
	s0 =	ssub.s32 s0, s2  }
0x32: {  	s21 =	sshll.u32 s0, $0x7  }
0x33: {  	s0 =	sand.u32 $0x1FFFFF80, s21;
	s22 =	spop (v2sf)  }
0x34: {  	s0 =	sadd.s32 s1, s0;
	s19 =	sxor.u32 $0x80000000, s22  }
0x35: {  	[tilespmem:s10], [sflag:$0x1] =	stream.strided.gather [hbm4b:s0+s7], $0x2000, s8, s7, $0x38;
	[tilespmem:$0x10480] =	vst v63  }
0x36: {  	p2 =	sgt.s32 s22, $0xFFFFFFFF;
	p1 =	slt.s32 s19, $0x1;
	s0 =	sand.u32 $0x7F, s22  }
0x37: {  	s23 =	sshra.s32 s19, $0x1F;
	v5, _, _ =	vpop (xrf0);
	p0 =	por p2, p1;
	p3 =	sne.s32 s0, $0x0  }
0x38: {  	s24 =	sshrl.u32 s23, $0x19;
	(v2sf) =	vpush v5, $0xF;
	p0 =	por !p3, !p0  }
0x39: {  	s2 =	simm.s32 $0x1;
	v5 =	vsel vm5, $0x0, v4;
	s0 =	sadd.s32 s24, s19;
	p0 =	por !p0, !p0  }
0x3a: {  	v5 =	vxor.u32 $0x80000000, v5;
	s0 =	sshrl.u32 s0, $0x7;
	s2 =	simm.s32 @!p0 $0x0  }
0x3b: {  	(xrf0) =	vmax.scan.msk.u32 $0xffff, v5;
	s0 =	ssub.s32 s0, s2  }
0x3c: {  	s23 =	sshll.u32 s0, $0x7  }
0x3d: {  	s0 =	sand.u32 $0x1FFFFF80, s23;
	s25 =	spop (v2sf)  }
0x3e: {  	s0 =	sadd.s32 s1, s0;
	s22 =	sxor.u32 $0x80000000, s25  }
0x3f: {  	[tilespmem:s11], [sflag:$0x1] =	stream.strided.gather [hbm4b:s0+s7], $0x2000, s8, s7, $0x38;
	[tilespmem:$0x10480] =	vst v63  }
0x40: {  	p5 =	sgt.s32 s25, $0xFFFFFFFF;
	p4 =	slt.s32 s22, $0x1;
	s0 =	sand.u32 $0x7F, s25  }
0x41: {  	s26 =	sshra.s32 s22, $0x1F;
	v5, _, _ =	vpop (xrf0);
	p0 =	por p5, p4;
	p6 =	sne.s32 s0, $0x0  }
0x42: {  	s28 =	sshrl.u32 s26, $0x19;
	(v2sf) =	vpush v5, $0xF;
	p0 =	por !p6, !p0  }
0x43: {  	s2 =	simm.s32 $0x1;
	v5 =	vsel vm6, $0x0, v4;
	s0 =	sadd.s32 s28, s22;
	p0 =	por !p0, !p0  }
0x44: {  	v5 =	vxor.u32 $0x80000000, v5;
	s0 =	sshrl.u32 s0, $0x7;
	s2 =	simm.s32 @!p0 $0x0  }
0x45: {  	(xrf0) =	vmax.scan.msk.u32 $0xffff, v5;
	s0 =	ssub.s32 s0, s2  }
0x46: {  	s25 =	sshll.u32 s0, $0x7  }
0x47: {  	s0 =	sand.u32 $0x1FFFFF80, s25;
	s29 =	spop (v2sf)  }
0x48: {  	s0 =	sadd.s32 s1, s0;
	s24 =	sxor.u32 $0x80000000, s29  }
0x49: {  	[tilespmem:s12], [sflag:$0x1] =	stream.strided.gather [hbm4b:s0+s7], $0x2000, s8, s7, $0x38;
	[tilespmem:$0x10480] =	vst v63  }
0x4a: {  	p2 =	sgt.s32 s29, $0xFFFFFFFF;
	p1 =	slt.s32 s24, $0x1;
	s0 =	sand.u32 $0x7F, s29  }
0x4b: {  	s30 =	sshra.s32 s24, $0x1F;
	v5, _, _ =	vpop (xrf0);
	p0 =	por p2, p1;
	p3 =	sne.s32 s0, $0x0  }
0x4c: {  	s31 =	sshrl.u32 s30, $0x19;
	(v2sf) =	vpush v5, $0xF;
	p0 =	por !p3, !p0  }
0x4d: {  	v4 =	vsel vm7, $0x0, v4;
	s2 =	simm.s32 $0x1;
	s0 =	sadd.s32 s31, s24;
	p0 =	por !p0, !p0  }
0x4e: {  	v4 =	vxor.u32 $0x80000000, v4;
	s0 =	sshrl.u32 s0, $0x7;
	s2 =	simm.s32 @!p0 $0x0  }
0x4f: {  	(xrf0) =	vmax.scan.msk.u32 $0xffff, v4;
	s0 =	ssub.s32 s0, s2  }
0x50: {  	s29 =	sshll.u32 s0, $0x7  }
0x51: {  	s0 =	sand.u32 $0x1FFFFF80, s29;
	s2 =	spop (v2sf)  }
0x52: {  	s0 =	sadd.s32 s1, s0;
	s26 =	sxor.u32 $0x80000000, s2  }
0x53: {  	[tilespmem:s13], [sflag:$0x1] =	stream.strided.gather [hbm4b:s0+s7], $0x2000, s8, s7, $0x38;
	[tilespmem:$0x10480] =	vst v63  }
0x54: {  	p5 =	sgt.s32 s2, $0xFFFFFFFF;
	p4 =	slt.s32 s26, $0x1;
	s0 =	sand.u32 $0x7F, s2  }
0x55: {  	v4, _, _ =	vpop (xrf0);
	s3 =	sshra.s32 s26, $0x1F;
	p0 =	por p5, p4;
	p6 =	sne.s32 s0, $0x0  }
0x56: {  	(v2sf) =	vpush v4, $0xF;
	s28 =	sshrl.u32 s3, $0x19;
	p0 =	por !p6, !p0  }
0x57: {  	s2 =	simm.s32 $0x1;
	s0 =	sadd.s32 s28, s26;
	p0 =	por !p0, !p0  }
0x58: {  	s0 =	sshrl.u32 s0, $0x7;
	s2 =	simm.s32 @!p0 $0x0  }
0x59: {  	s0 =	ssub.s32 s0, s2  }
0x5a: {  	s31 =	sshll.u32 s0, $0x7  }
0x5b: {  	s0 =	sand.u32 $0x1FFFFF80, s31;
	s30 =	spop (v2sf)  }
0x5c: {  	s0 =	sadd.s32 s1, s0;
	s28 =	sxor.u32 $0x80000000, s30  }
0x5d: {  	[tilespmem:s14], [sflag:$0x1] =	stream.strided.gather [hbm4b:s0+s7], $0x2000, s8, s7, $0x38;
	[tilespmem:$0x10480] =	vst v63  }
0x5e: {  	p2 =	sgt.s32 s30, $0xFFFFFFFF;
	s3 =	sand.u32 $0x7F, s30;
	p1 =	slt.s32 s28, $0x1  }
0x5f: {  	s30 =	sshra.s32 s28, $0x1F;
	p3 =	sne.s32 s3, $0x0;
	p0 =	por p2, p1  }
0x60: {  	s2 =	sshrl.u32 s30, $0x19;
	p0 =	por !p3, !p0  }
0x61: {  	s0 =	sadd.s32 s2, s28;
	s2 =	simm.s32 $0x1;
	p0 =	por !p0, !p0  }
0x62: {  	s0 =	sshrl.u32 s0, $0x7;
	s2 =	simm.s32 @!p0 $0x0  }
0x63: {  	s0 =	ssub.s32 s0, s2  }
0x64: {  	s2 =	sshll.u32 s0, $0x7  }
0x65: {  	s3 =	spop (v2sf);
	s0 =	sand.u32 $0x1FFFFF80, s2  }
0x66: {  	s30 =	sxor.u32 $0x80000000, s3;
	s0 =	sadd.s32 s1, s0  }
0x67: {  	[tilespmem:s15], [sflag:$0x1] =	stream.strided.gather [hbm4b:s0+s7], $0x2000, s8, s7, $0x38;
	[tilespmem:$0x10480] =	vst v63  }
0x68: {  	p4 =	sgt.s32 s3, $0xFFFFFFFF;
	p5 =	slt.s32 s30, $0x1;
	s0 =	sand.u32 $0x7F, s3  }
0x69: {  	p0 =	por p4, p5;
	s3 =	sshra.s32 s30, $0x1F;
	p6 =	sne.s32 s0, $0x0  }
0x6a: {  	s3 =	sshrl.u32 s3, $0x19;
	p0 =	por !p6, !p0  }
0x6b: {  	s0 =	sadd.s32 s3, s30;
	s3 =	simm.s32 $0x1;
	p0 =	por !p0, !p0  }
0x6c: {  	s0 =	sshrl.u32 s0, $0x7;
	s3 =	simm.s32 @!p0 $0x0  }
0x6d: {  	s0 =	ssub.s32 s0, s3  }
0x6e: {  	s0 =	sshll.u32 s0, $0x7  }
0x6f: {  	s3 =	ssub.s32 s17, s20;
	s20 =	sand.u32 $0x1FFFFF80, s0  }
0x70: {  	v4 =	vadd.s32 s3, v0;
	s17 =	sadd.s32 s1, s20  }
0x71: {  	[tilespmem:s16], [sflag:$0x1] =	stream.strided.gather [hbm4b:s17+s7], $0x2000, s8, s7, $0x38;
	[tilespmem:$0x10480] =	vst v63  }
0x72: {  	_ =	swait.ge [sflag:s6], $0x2000  }
0x73: {  	[sflag:s6] =	ssyncset.done $0x0  }
0x74: {  	[sflag:s6] =	ssyncadd.s32 $0xFFFFE000  }
0x75: {  	v4 =	vld.idx.msk [tilespmem:v4+s9+$0x0], $0xffff  }
0x76: {  	v5 =	vadd.s32 s3, v1;
	_ =	sdelay $0x3  }
0x77: {  	[tilespmem:$0x10080] =	vst v4  }
0x78: {  	v4 =	vld.idx.msk [tilespmem:v5+s9+$0x0], $0xffff  }
0x79: {  	v5 =	vadd.s32 s3, v2;
	_ =	sdelay $0x3  }
0x7a: {  	[tilespmem:$0x10090] =	vst v4  }
0x7b: {  	v4 =	vld.idx.msk [tilespmem:v5+s9+$0x0], $0xffff  }
0x7c: {  	v5 =	vadd.s32 s3, v3;
	_ =	sdelay $0x3  }
0x7d: {  	[tilespmem:$0x100A0] =	vst v4  }
0x7e: {  	v4 =	vld.idx.msk [tilespmem:v5+s9+$0x0], $0xffff;
	_ =	sdelay $0x2  }
0x7f: {  	s20 =	ssub.s32 s18, s21  }
0x80: {  	v5 =	vadd.s32 s20, v0  }
0x81: {  	[tilespmem:$0x100B0] =	vst v4  }
0x82: {  	_ =	swait.ge [sflag:s6], $0x2000  }
0x83: {  	[sflag:s6] =	ssyncset.done $0x0  }
0x84: {  	[sflag:s6] =	ssyncadd.s32 $0xFFFFE000  }
0x85: {  	v4 =	vld.idx.msk [tilespmem:v5+s10+$0x0], $0xffff  }
0x86: {  	v5 =	vadd.s32 s20, v1;
	_ =	sdelay $0x3  }
0x87: {  	[tilespmem:$0x10100] =	vst v4  }
0x88: {  	v4 =	vld.idx.msk [tilespmem:v5+s10+$0x0], $0xffff  }
0x89: {  	v5 =	vadd.s32 s20, v2;
	_ =	sdelay $0x3  }
0x8a: {  	[tilespmem:$0x10110] =	vst v4  }
0x8b: {  	v4 =	vld.idx.msk [tilespmem:v5+s10+$0x0], $0xffff  }
0x8c: {  	v5 =	vadd.s32 s20, v3;
	_ =	sdelay $0x3  }
0x8d: {  	[tilespmem:$0x10120] =	vst v4  }
0x8e: {  	v4 =	vld.idx.msk [tilespmem:v5+s10+$0x0], $0xffff;
	_ =	sdelay $0x2  }
0x8f: {  	s21 =	ssub.s32 s19, s23  }
0x90: {  	v5 =	vadd.s32 s21, v0  }
0x91: {  	[tilespmem:$0x10130] =	vst v4  }
0x92: {  	_ =	swait.ge [sflag:s6], $0x2000  }
0x93: {  	[sflag:s6] =	ssyncset.done $0x0  }
0x94: {  	[sflag:s6] =	ssyncadd.s32 $0xFFFFE000  }
0x95: {  	v4 =	vld.idx.msk [tilespmem:v5+s11+$0x0], $0xffff  }
0x96: {  	v5 =	vadd.s32 s21, v1;
	_ =	sdelay $0x3  }
0x97: {  	[tilespmem:$0x10180] =	vst v4  }
0x98: {  	v4 =	vld.idx.msk [tilespmem:v5+s11+$0x0], $0xffff  }
0x99: {  	v5 =	vadd.s32 s21, v2;
	_ =	sdelay $0x3  }
0x9a: {  	[tilespmem:$0x10190] =	vst v4  }
0x9b: {  	v4 =	vld.idx.msk [tilespmem:v5+s11+$0x0], $0xffff  }
0x9c: {  	v5 =	vadd.s32 s21, v3;
	_ =	sdelay $0x3  }
0x9d: {  	[tilespmem:$0x101A0] =	vst v4  }
0x9e: {  	v4 =	vld.idx.msk [tilespmem:v5+s11+$0x0], $0xffff;
	_ =	sdelay $0x2  }
0x9f: {  	s23 =	ssub.s32 s22, s25  }
0xa0: {  	v5 =	vadd.s32 s23, v0  }
0xa1: {  	[tilespmem:$0x101B0] =	vst v4  }
0xa2: {  	_ =	swait.ge [sflag:s6], $0x2000  }
0xa3: {  	[sflag:s6] =	ssyncset.done $0x0  }
0xa4: {  	[sflag:s6] =	ssyncadd.s32 $0xFFFFE000  }
0xa5: {  	v4 =	vld.idx.msk [tilespmem:v5+s12+$0x0], $0xffff  }
0xa6: {  	v5 =	vadd.s32 s23, v1;
	_ =	sdelay $0x3  }
0xa7: {  	[tilespmem:$0x10200] =	vst v4  }
0xa8: {  	v4 =	vld.idx.msk [tilespmem:v5+s12+$0x0], $0xffff  }
0xa9: {  	v5 =	vadd.s32 s23, v2;
	_ =	sdelay $0x3  }
0xaa: {  	[tilespmem:$0x10210] =	vst v4  }
0xab: {  	v4 =	vld.idx.msk [tilespmem:v5+s12+$0x0], $0xffff  }
0xac: {  	v5 =	vadd.s32 s23, v3;
	_ =	sdelay $0x3  }
0xad: {  	[tilespmem:$0x10220] =	vst v4  }
0xae: {  	v4 =	vld.idx.msk [tilespmem:v5+s12+$0x0], $0xffff;
	_ =	sdelay $0x2  }
0xaf: {  	s25 =	ssub.s32 s24, s29  }
0xb0: {  	v5 =	vadd.s32 s25, v0  }
0xb1: {  	[tilespmem:$0x10230] =	vst v4  }
0xb2: {  	_ =	swait.ge [sflag:s6], $0x2000  }
0xb3: {  	[sflag:s6] =	ssyncset.done $0x0  }
0xb4: {  	[sflag:s6] =	ssyncadd.s32 $0xFFFFE000  }
0xb5: {  	v4 =	vld.idx.msk [tilespmem:v5+s13+$0x0], $0xffff  }
0xb6: {  	v5 =	vadd.s32 s25, v1;
	_ =	sdelay $0x3  }
0xb7: {  	[tilespmem:$0x10280] =	vst v4  }
0xb8: {  	v4 =	vld.idx.msk [tilespmem:v5+s13+$0x0], $0xffff  }
0xb9: {  	v5 =	vadd.s32 s25, v2;
	_ =	sdelay $0x3  }
0xba: {  	[tilespmem:$0x10290] =	vst v4  }
0xbb: {  	v4 =	vld.idx.msk [tilespmem:v5+s13+$0x0], $0xffff  }
0xbc: {  	v5 =	vadd.s32 s25, v3;
	_ =	sdelay $0x3  }
0xbd: {  	[tilespmem:$0x102A0] =	vst v4  }
0xbe: {  	v4 =	vld.idx.msk [tilespmem:v5+s13+$0x0], $0xffff;
	_ =	sdelay $0x2  }
0xbf: {  	s26 =	ssub.s32 s26, s31  }
0xc0: {  	v5 =	vadd.s32 s26, v0  }
0xc1: {  	[tilespmem:$0x102B0] =	vst v4  }
0xc2: {  	_ =	swait.ge [sflag:s6], $0x2000  }
0xc3: {  	[sflag:s6] =	ssyncset.done $0x0  }
0xc4: {  	[sflag:s6] =	ssyncadd.s32 $0xFFFFE000  }
0xc5: {  	v4 =	vld.idx.msk [tilespmem:v5+s14+$0x0], $0xffff  }
0xc6: {  	v5 =	vadd.s32 s26, v1;
	_ =	sdelay $0x3  }
0xc7: {  	[tilespmem:$0x10300] =	vst v4  }
0xc8: {  	v4 =	vld.idx.msk [tilespmem:v5+s14+$0x0], $0xffff  }
0xc9: {  	v5 =	vadd.s32 s26, v2;
	_ =	sdelay $0x3  }
0xca: {  	[tilespmem:$0x10310] =	vst v4  }
0xcb: {  	v4 =	vld.idx.msk [tilespmem:v5+s14+$0x0], $0xffff  }
0xcc: {  	v5 =	vadd.s32 s26, v3;
	_ =	sdelay $0x3  }
0xcd: {  	[tilespmem:$0x10320] =	vst v4  }
0xce: {  	v4 =	vld.idx.msk [tilespmem:v5+s14+$0x0], $0xffff;
	_ =	sdelay $0x2  }
0xcf: {  	s2 =	ssub.s32 s28, s2  }
0xd0: {  	v5 =	vadd.s32 s2, v0  }
0xd1: {  	[tilespmem:$0x10330] =	vst v4  }
0xd2: {  	_ =	swait.ge [sflag:s6], $0x2000  }
0xd3: {  	[sflag:s6] =	ssyncset.done $0x0  }
0xd4: {  	[sflag:s6] =	ssyncadd.s32 $0xFFFFE000  }
0xd5: {  	v4 =	vld.idx.msk [tilespmem:v5+s15+$0x0], $0xffff  }
0xd6: {  	v5 =	vadd.s32 s2, v1;
	_ =	sdelay $0x3  }
0xd7: {  	[tilespmem:$0x10380] =	vst v4  }
0xd8: {  	v4 =	vld.idx.msk [tilespmem:v5+s15+$0x0], $0xffff  }
0xd9: {  	v5 =	vadd.s32 s2, v2;
	_ =	sdelay $0x3  }
0xda: {  	[tilespmem:$0x10390] =	vst v4  }
0xdb: {  	v4 =	vld.idx.msk [tilespmem:v5+s15+$0x0], $0xffff  }
0xdc: {  	v5 =	vadd.s32 s2, v3;
	_ =	sdelay $0x3  }
0xdd: {  	[tilespmem:$0x103A0] =	vst v4  }
0xde: {  	v4 =	vld.idx.msk [tilespmem:v5+s15+$0x0], $0xffff;
	_ =	sdelay $0x2  }
0xdf: {  	s0 =	ssub.s32 s30, s0  }
0xe0: {  	v5 =	vadd.s32 s0, v0  }
0xe1: {  	[tilespmem:$0x103B0] =	vst v4  }
0xe2: {  	_ =	swait.ge [sflag:s6], $0x2000  }
0xe3: {  	[sflag:s6] =	ssyncset.done $0x0  }
0xe4: {  	[sflag:s6] =	ssyncadd.s32 $0xFFFFE000  }
0xe5: {  	v4 =	vld.idx.msk [tilespmem:v5+s16+$0x0], $0xffff  }
0xe6: {  	v5 =	vadd.s32 s0, v1;
	_ =	sdelay $0x3  }
0xe7: {  	[tilespmem:$0x10400] =	vst v4  }
0xe8: {  	v4 =	vld.idx.msk [tilespmem:v5+s16+$0x0], $0xffff  }
0xe9: {  	v5 =	vadd.s32 s0, v2;
	_ =	sdelay $0x3  }
0xea: {  	[tilespmem:$0x10410] =	vst v4  }
0xeb: {  	v4 =	vld.idx.msk [tilespmem:v5+s16+$0x0], $0xffff  }
0xec: {  	v5 =	vadd.s32 s0, v3;
	_ =	sdelay $0x3  }
0xed: {  	[tilespmem:$0x10420] =	vst v4  }
0xee: {  	v4 =	vld.idx.msk [tilespmem:v5+s16+$0x0], $0xffff;
	_ =	sdelay $0x3  }
0xef: {  	p0 =	sne.s32 s4, $0x1;
	s29 =	rddreg [dreg:$0x5]  }
.Ltmp0:
0xf0: {  	s31 =	simm.s32 $0x0;
	s30 =	rddreg [dreg:$0x6];
	[tilespmem:$0x10430] =	vst v4;
	(pc) =	sbr.rel @p0 .LBB2_1-.Ltmp0, $4  }
0xf1: {  	[hbm4b:s29+s31] =	stream.linear.scatter [tilespmem:s30], [sflag:$0x2], $0x400, $0x38;
	[tilespmem:$0x10480] =	vst v63  }
0xf2: {  	_ =	swait.ge [sflag:s5], $0x400  }
0xf3: {  	[sflag:s5] =	ssyncset.done $0x0  }
0xf4: {  	s4 =	sadd.s32 $0xFFFFFFFF, s4;
	[sflag:s5] =	ssyncadd.s32 $0xFFFFFC00  }
0xf5: {  	_ =	sfence.sel $0x180000  }
0xf6: {  	[bflag:$0x0] =	sbarrier.arrive $0xFFFF  }
0xf7: {  	_ =	strace $0x90000047  }
0xf8: {  	s0 =	stileid.u32;
	[bflag:$0x2] =	sbarrier.arrive $0xFFFF  }
0xf9: {  	p0 =	sne.s32 s0, $0x0;
	s0 =	rddreg [dreg:$0x3]  }
0xfa: {  	s0 =	sadd.s32 @!p0 $0x100000, s0  }
0xfb: {  	[sflag:s0] =	ssyncadd.tile.s32 @!p0 $0x1;
	_ =	shalt  }
.Lfunc_end2:
_tile_overlayer_lowered:
.L_overlay_start_2:
0xfc: {  	(tag) =	ssettag $0x2  }
0xfd: {  	s0 =	rddreg [dreg:$0x0];
	s2 =	stileid.u32  }
0xfe: {  	s1 =	rddreg [dreg:$0x1];
	p0 =	sne.s32 s2, $0x0  }
0xff: {  	s3 =	rddreg [dreg:$0x2];
	[bflag:$0x3] =	sbarrier.arrive $0xFFFF;
	s2 =	simm.s32 @!p0 $0x1C02  }
0x100: {  	[timem:s3], [sflag:s2] =	dma.local @!p0 [hbm:s0], s1  }
0x101: {  	s0 =	simm.s32 @!p0 $0x2  }
0x102: {  	_ =	swait.ge @!p0 [sflag:s0], s1  }
0x103: {  	s1 =	ssub.s32 @!p0 $0x0, s1;
	[sflag:s0] =	ssyncset.done @!p0 $0x0  }
0x104: {  	[sflag:s0] =	ssyncadd.s32 @!p0 s1  }
0x105: {  	[bflag:$0x3] =	sbarrier.arrive $0xFFFF  }
0x106: {  	_ =	shalt  }

</sc_bundles>
